<compile_context>
chip_gen: v7x
topology: tpu7x:2x2x1
jax: 0.10.2.dev20260603
libtpu: 0.0.44.dev20260713+nightly
codegen_flags: <defaults>
</compile_context>

<pallas_src>
import functools

import jax
import jax.numpy as jnp
from jax import lax
from jax.experimental import pallas as pl
from jax.experimental.pallas import tpu as pltpu
from jax.experimental.pallas import tpu_sc as plsc

TOK_BLK = 8192
LANES = 16


def _argmin_body(cb_ref, z_ref, idx_ref, cbt_ref):
    cb = cb_ref[...]
    z = z_ref[0]
    scores2 = jnp.dot(cb + cb, z, preferred_element_type=jnp.float32)
    cb_sq = jnp.sum(cb * cb, axis=1, keepdims=True)
    z_sq = jnp.sum(z * z, axis=0, keepdims=True)
    d = (z_sq + cb_sq) - scores2
    m = jnp.min(d, axis=0, keepdims=True)
    rows = lax.broadcasted_iota(jnp.int32, d.shape, 0)
    cand = jnp.where(d == m, rows, d.shape[0])
    idx_ref[0] = jnp.min(cand, axis=0, keepdims=True).astype(jnp.int32)
    cbt_ref[...] = cb.T


def _tc_argmin(zf, codebook):
    b, ed, s = zf.shape
    en = codebook.shape[0]
    nj = s // TOK_BLK
    nblk = b * nj
    idx, cbt = pl.pallas_call(
        _argmin_body,
        grid=(b, nj),
        in_specs=[
            pl.BlockSpec((en, ed), lambda i, j: (0, 0)),
            pl.BlockSpec((1, ed, TOK_BLK), lambda i, j: (i, 0, j)),
        ],
        out_specs=[
            pl.BlockSpec((1, 1, TOK_BLK), lambda i, j, nj=nj: (i * nj + j, 0, 0)),
            pl.BlockSpec((ed, en), lambda i, j: (0, 0)),
        ],
        out_shape=[
            jax.ShapeDtypeStruct((nblk, 1, TOK_BLK), jnp.int32),
            jax.ShapeDtypeStruct((ed, en), jnp.float32),
        ],
        compiler_params=pltpu.CompilerParams(
            dimension_semantics=("parallel", "parallel")),
    )(codebook, zf)
    return idx.reshape(-1), cbt.reshape(-1)


def _make_sc_gather(b, ed, en, s):
    nw = 32
    tpw = (b * s) // nw
    wpb = s // tpw

    mesh = plsc.VectorSubcoreMesh(core_axis_name="c", subcore_axis_name="s")

    @functools.partial(
        pl.kernel,
        mesh=mesh,
        compiler_params=pltpu.CompilerParams(needs_layout_passes=False),
        out_type=jax.ShapeDtypeStruct((b, ed, s), jnp.float32),
        scratch_types=[
            pltpu.VMEM((tpw,), jnp.int32),
            pltpu.VMEM((ed * en,), jnp.float32),
            pltpu.VMEM((ed, tpw), jnp.float32),
        ],
    )
    def sc_gather(idx_hbm, cbt_hbm, out_hbm, idx_v, cbt_v, out_v):
        wid = lax.axis_index("s") * 2 + lax.axis_index("c")
        bb = wid // wpb
        s0 = (wid % wpb) * tpw
        pltpu.sync_copy(idx_hbm.at[pl.ds(wid * tpw, tpw)], idx_v)
        pltpu.sync_copy(cbt_hbm, cbt_v)

        @plsc.parallel_loop(0, tpw // LANES, unroll=4)
        def body(g):
            iv = idx_v[pl.ds(g * LANES, LANES)]
            for c in range(ed):
                out_v[c, pl.ds(g * LANES, LANES)] = plsc.load_gather(
                    cbt_v.at[pl.ds(c * en, en)], [iv])

        pltpu.sync_copy(out_v, out_hbm.at[bb, :, pl.ds(s0, tpw)])

    return sc_gather


def kernel(z, codebook):
    b, ed = z.shape[0], z.shape[1]
    s = z.shape[2] * z.shape[3] * z.shape[4]
    en = codebook.shape[0]
    zf = z.reshape(b, ed, s)
    idx, cbt = _tc_argmin(zf, codebook)
    zq = _make_sc_gather(b, ed, en, s)(idx, cbt)
    return zq.reshape(z.shape)

# --- scband reference (transcript-rebuilt; emitter-appended) ---
"""Pipeline reference for scband-vector-quantizer-34591666602323 (READ-ONLY COPY).

The authoritative reference and input builder live on the scoring server;
editing this copy changes nothing except your own understanding.
"""

import jax, jax.numpy as jnp
import numpy as np

EMBED_NUM = 512
EMBED_DIM = 32

def setup_inputs(seed: int = 0) -> dict:
    key = jax.random.key(seed)
    k1, k2 = jax.random.split(key)
    z = jax.random.normal(k1, (4, 32, 16, 32, 32), dtype=jnp.float32)
    codebook = jax.random.uniform(k2, (EMBED_NUM, EMBED_DIM), dtype=jnp.float32, minval=-1.0 / EMBED_NUM, maxval=1.0 / EMBED_NUM)
    return {"z": z, "codebook": codebook}

def reference(z, codebook):
    # permute (B, C, D, H, W) -> (B, D, H, W, C)
    zp = jnp.transpose(z, (0, 2, 3, 4, 1))
    flat = zp.reshape(-1, codebook.shape[1])
    # squared L2 distances to all codebook entries
    d = (jnp.sum(flat ** 2, axis=1, keepdims=True)
         + jnp.sum(codebook ** 2, axis=1)
         - 2.0 * jnp.matmul(flat, codebook.T))
    min_encoding_indices = jnp.argmin(d, axis=1)
    # one-hot encodings via scatter-overwrite, then matmul (faithful to torch scatter_ + matmul)
    min_encodings = jnp.zeros((flat.shape[0], codebook.shape[0]), dtype=flat.dtype)
    min_encodings = min_encodings.at[jnp.arange(flat.shape[0]), min_encoding_indices].set(1.0)
    z_q = jnp.matmul(min_encodings, codebook).reshape(zp.shape)
    # permute back (B, D, H, W, C) -> (B, C, D, H, W)
    z_q = jnp.transpose(z_q, (0, 4, 1, 2, 3))
    return z_q

if __name__ == "__main__":
    import jax
    _d = setup_inputs()
    print(jax.jit(kernel)(*tuple(_d.values())))

</pallas_src>

<mosaic_0001>
#map = affine_map<(d0, d1) -> (0)>
#map1 = affine_map<(d0, d1) -> (0, 0, 0)>
module attributes {stable_mosaic.version = 14 : i64} {
  func.func @sc_gather(%arg0: i32, %arg1: i32, %arg2: memref<65536xi32, #tpu.memory_space<hbm>>, %arg3: memref<16384xf32, #tpu.memory_space<hbm>>, %arg4: memref<4x32x16384xf32, #tpu.memory_space<hbm>>, %arg5: memref<2048xi32, #tpu.memory_space<vmem>>, %arg6: memref<16384xf32, #tpu.memory_space<vmem>>, %arg7: memref<32x2048xf32, #tpu.memory_space<vmem>>) attributes {dimension_semantics = [#tpu.dimension_semantics<core_parallel>, #tpu.dimension_semantics<subcore_parallel>], iteration_bounds = array<i64: 2, 16>, scalar_prefetch = 0 : i64, scratch_operands = 3 : i64, tpu.core_type = #tpu.core_type<sc_vector_subcore>, window_params = [{transform_indices = #map}, {transform_indices = #map}, {transform_indices = #map1}]} {
    %mul3A = arith.constant 2 : i32
    %mul3A_0 = arith.muli %arg1, %mul3A : i32
    %add3A = arith.addi %mul3A_0, %arg0 : i32
    %jit3A = arith.constant 8 : i32
    %div3A = arith.divsi %add3A, %jit3A : i32
    %sign3A = arith.constant 0 : i32
    %sign3A_1 = arith.cmpi sgt, %add3A, %sign3A : i32
    %sign3A_2 = arith.extui %sign3A_1 : i1 to i32
    %sign3A_3 = arith.constant 0 : i32
    %sign3A_4 = arith.cmpi slt, %add3A, %sign3A_3 : i32
    %sign3A_5 = arith.extui %sign3A_4 : i1 to i32
    %sign3A_6 = arith.subi %sign3A_2, %sign3A_5 : i32
    %sign3A_7 = arith.constant 0 : i32
    %sign3A_8 = arith.cmpi sgt, %jit3A, %sign3A_7 : i32
    %sign3A_9 = arith.extui %sign3A_8 : i1 to i32
    %sign3A_10 = arith.constant 0 : i32
    %sign3A_11 = arith.cmpi slt, %jit3A, %sign3A_10 : i32
    %sign3A_12 = arith.extui %sign3A_11 : i1 to i32
    %sign3A_13 = arith.subi %sign3A_9, %sign3A_12 : i32
    %ne3A = arith.cmpi ne, %sign3A_6, %sign3A_13 : i32
    %rem3A = arith.remsi %add3A, %jit3A : i32
    %ne3A_14 = arith.constant 0 : i32
    %ne3A_15 = arith.cmpi ne, %rem3A, %ne3A_14 : i32
    %and3A = arith.andi %ne3A, %ne3A_15 : i1
    %sub3A = arith.constant 1 : i32
    %sub3A_16 = arith.subi %div3A, %sub3A : i32
    %select_n3A = arith.select %and3A, %sub3A_16, %div3A : i32
    %jit3A_17 = arith.constant 8 : i32
    %eq3A = arith.constant 0 : i32
    %eq3A_18 = arith.cmpi eq, %jit3A_17, %eq3A : i32
    %jit3A_19 = arith.constant 1 : i32
    %select_n3A_20 = arith.select %eq3A_18, %jit3A_19, %jit3A_17 : i32
    %rem3A_21 = arith.remsi %add3A, %select_n3A_20 : i32
    %ne3A_22 = arith.constant 0 : i32
    %ne3A_23 = arith.cmpi ne, %rem3A_21, %ne3A_22 : i32
    %lt3A = arith.constant 0 : i32
    %lt3A_24 = arith.cmpi slt, %rem3A_21, %lt3A : i32
    %lt3A_25 = arith.constant 0 : i32
    %lt3A_26 = arith.cmpi slt, %select_n3A_20, %lt3A_25 : i32
    %ne3A_27 = arith.xori %lt3A_24, %lt3A_26 : i1
    %and3A_28 = arith.andi %ne3A_27, %ne3A_23 : i1
    %add3A_29 = arith.addi %rem3A_21, %select_n3A_20 : i32
    %select_n3A_30 = arith.select %and3A_28, %add3A_29, %rem3A_21 : i32
    %mul3A_31 = arith.constant 2048 : i32
    %mul3A_32 = arith.muli %select_n3A_30, %mul3A_31 : i32
    %mul3A_33 = arith.constant 2048 : i32
    %mul3A_34 = arith.muli %add3A, %mul3A_33 : i32
    "tpu.region"() ({
      %run_scoped3A = tpu.sem_alloc : memref<!tpu.dma_semaphore, #tpu.memory_space<semaphore_mem>>
      %dma_start3A = tpu.memref_slice %arg2[%mul3A_34] : memref<65536xi32, #tpu.memory_space<hbm>> -> memref<2048xi32, #tpu.memory_space<hbm>>
      %dma_start3A_37 = tpu.memref_slice %arg2[%mul3A_34] : memref<65536xi32, #tpu.memory_space<hbm>> -> memref<2048xi32, #tpu.memory_space<hbm>>
      tpu.enqueue_dma source(%dma_start3A_37 : memref<2048xi32, #tpu.memory_space<hbm>>) target(%arg5 : memref<2048xi32, #tpu.memory_space<vmem>>) target_semaphore(%run_scoped3A : memref<!tpu.dma_semaphore, #tpu.memory_space<semaphore_mem>>)
      %dma_wait3A = tpu.memref_slice %arg2[%mul3A_34] : memref<65536xi32, #tpu.memory_space<hbm>> -> memref<2048xi32, #tpu.memory_space<hbm>>
      %dma_wait3A_38 = tpu.memref_slice %arg2[%mul3A_34] : memref<65536xi32, #tpu.memory_space<hbm>> -> memref<2048xi32, #tpu.memory_space<hbm>>
      tpu.wait_dma2 semaphore(%run_scoped3A : memref<!tpu.dma_semaphore, #tpu.memory_space<semaphore_mem>>) src(%dma_wait3A_38 : memref<2048xi32, #tpu.memory_space<hbm>>) dst(%arg5 : memref<2048xi32, #tpu.memory_space<vmem>>)
      tpu.yield
    }) : () -> ()
    "tpu.region"() ({
      %run_scoped3A = tpu.sem_alloc : memref<!tpu.dma_semaphore, #tpu.memory_space<semaphore_mem>>
      tpu.enqueue_dma source(%arg3 : memref<16384xf32, #tpu.memory_space<hbm>>) target(%arg6 : memref<16384xf32, #tpu.memory_space<vmem>>) target_semaphore(%run_scoped3A : memref<!tpu.dma_semaphore, #tpu.memory_space<semaphore_mem>>)
      tpu.wait_dma2 semaphore(%run_scoped3A : memref<!tpu.dma_semaphore, #tpu.memory_space<semaphore_mem>>) src(%arg3 : memref<16384xf32, #tpu.memory_space<hbm>>) dst(%arg6 : memref<16384xf32, #tpu.memory_space<vmem>>)
      tpu.yield
    }) : () -> ()
    %parallel_loop3A = arith.constant 0 : i32
    %parallel_loop3A_35 = arith.constant 128 : i32
    %parallel_loop3A_36 = arith.constant 1 : i32
    scf.for %parallel_loop3A_37 = %parallel_loop3A to %parallel_loop3A_35 step %parallel_loop3A_36  : i32 {
      %parallel_loop3A_38 = arith.constant 16 : i32
      %parallel_loop3A_39 = arith.muli %parallel_loop3A_37, %parallel_loop3A_38 : i32
      %parallel_loop3A_40 = arith.index_cast %parallel_loop3A_39 : i32 to index
      %parallel_loop3A_41 = tpu.vector_load %arg5[%parallel_loop3A_40] {strides = array<i32>} : memref<2048xi32, #tpu.memory_space<vmem>>, vector<16xi32>,
      %parallel_loop3A_42 = arith.constant 0 : i32
      %parallel_loop3A_43 = tpu.memref_slice %arg6[%parallel_loop3A_42] : memref<16384xf32, #tpu.memory_space<vmem>> -> memref<512xf32, #tpu.memory_space<vmem>>
      %parallel_loop3A_44 = tpu.vector_load_idx %parallel_loop3A_43[%parallel_loop3A_41] : memref<512xf32, #tpu.memory_space<vmem>>[vector<16xi32>], vector<16xf32>,
      %parallel_loop3A_45 = arith.constant 16 : i32
      %parallel_loop3A_46 = arith.muli %parallel_loop3A_37, %parallel_loop3A_45 : i32
      %parallel_loop3A_47 = arith.constant 0 : i32
      %parallel_loop3A_48 = arith.index_cast %parallel_loop3A_47 : i32 to index
      %parallel_loop3A_49 = arith.index_cast %parallel_loop3A_46 : i32 to index
      %parallel_loop3A_50 = tpu.vector_load %arg7[%parallel_loop3A_48, %parallel_loop3A_49] {strides = array<i32>} : memref<32x2048xf32, #tpu.memory_space<vmem>>, vector<16xf32>,
      tpu.vector_store %arg7[%parallel_loop3A_48, %parallel_loop3A_49], %parallel_loop3A_44 {strides = array<i32>} : memref<32x2048xf32, #tpu.memory_space<vmem>>, vector<16xf32>,
      %parallel_loop3A_51 = arith.constant 512 : i32
      %parallel_loop3A_52 = tpu.memref_slice %arg6[%parallel_loop3A_51] : memref<16384xf32, #tpu.memory_space<vmem>> -> memref<512xf32, #tpu.memory_space<vmem>>
      %parallel_loop3A_53 = tpu.vector_load_idx %parallel_loop3A_52[%parallel_loop3A_41] : memref<512xf32, #tpu.memory_space<vmem>>[vector<16xi32>], vector<16xf32>,
      %parallel_loop3A_54 = arith.constant 16 : i32
      %parallel_loop3A_55 = arith.muli %parallel_loop3A_37, %parallel_loop3A_54 : i32
      %parallel_loop3A_56 = arith.constant 1 : i32
      %parallel_loop3A_57 = arith.index_cast %parallel_loop3A_56 : i32 to index
      %parallel_loop3A_58 = arith.index_cast %parallel_loop3A_55 : i32 to index
      %parallel_loop3A_59 = tpu.vector_load %arg7[%parallel_loop3A_57, %parallel_loop3A_58] {strides = array<i32>} : memref<32x2048xf32, #tpu.memory_space<vmem>>, vector<16xf32>,
      tpu.vector_store %arg7[%parallel_loop3A_57, %parallel_loop3A_58], %parallel_loop3A_53 {strides = array<i32>} : memref<32x2048xf32, #tpu.memory_space<vmem>>, vector<16xf32>,
      %parallel_loop3A_60 = arith.constant 1024 : i32
      %parallel_loop3A_61 = tpu.memref_slice %arg6[%parallel_loop3A_60] : memref<16384xf32, #tpu.memory_space<vmem>> -> memref<512xf32, #tpu.memory_space<vmem>>
      %parallel_loop3A_62 = tpu.vector_load_idx %parallel_loop3A_61[%parallel_loop3A_41] : memref<512xf32, #tpu.memory_space<vmem>>[vector<16xi32>], vector<16xf32>,
      %parallel_loop3A_63 = arith.constant 16 : i32
      %parallel_loop3A_64 = arith.muli %parallel_loop3A_37, %parallel_loop3A_63 : i32
      %parallel_loop3A_65 = arith.constant 2 : i32
      %parallel_loop3A_66 = arith.index_cast %parallel_loop3A_65 : i32 to index
      %parallel_loop3A_67 = arith.index_cast %parallel_loop3A_64 : i32 to index
      %parallel_loop3A_68 = tpu.vector_load %arg7[%parallel_loop3A_66, %parallel_loop3A_67] {strides = array<i32>} : memref<32x2048xf32, #tpu.memory_space<vmem>>, vector<16xf32>,
      tpu.vector_store %arg7[%parallel_loop3A_66, %parallel_loop3A_67], %parallel_loop3A_62 {strides = array<i32>} : memref<32x2048xf32, #tpu.memory_space<vmem>>, vector<16xf32>,
      %parallel_loop3A_69 = arith.constant 1536 : i32
      %parallel_loop3A_70 = tpu.memref_slice %arg6[%parallel_loop3A_69] : memref<16384xf32, #tpu.memory_space<vmem>> -> memref<512xf32, #tpu.memory_space<vmem>>
      %parallel_loop3A_71 = tpu.vector_load_idx %parallel_loop3A_70[%parallel_loop3A_41] : memref<512xf32, #tpu.memory_space<vmem>>[vector<16xi32>], vector<16xf32>,
      %parallel_loop3A_72 = arith.constant 16 : i32
      %parallel_loop3A_73 = arith.muli %parallel_loop3A_37, %parallel_loop3A_72 : i32
      %parallel_loop3A_74 = arith.constant 3 : i32
      %parallel_loop3A_75 = arith.index_cast %parallel_loop3A_74 : i32 to index
      %parallel_loop3A_76 = arith.index_cast %parallel_loop3A_73 : i32 to index
      %parallel_loop3A_77 = tpu.vector_load %arg7[%parallel_loop3A_75, %parallel_loop3A_76] {strides = array<i32>} : memref<32x2048xf32, #tpu.memory_space<vmem>>, vector<16xf32>,
      tpu.vector_store %arg7[%parallel_loop3A_75, %parallel_loop3A_76], %parallel_loop3A_71 {strides = array<i32>} : memref<32x2048xf32, #tpu.memory_space<vmem>>, vector<16xf32>,
      %parallel_loop3A_78 = arith.constant 2048 : i32
      %parallel_loop3A_79 = tpu.memref_slice %arg6[%parallel_loop3A_78] : memref<16384xf32, #tpu.memory_space<vmem>> -> memref<512xf32, #tpu.memory_space<vmem>>
      %parallel_loop3A_80 = tpu.vector_load_idx %parallel_loop3A_79[%parallel_loop3A_41] : memref<512xf32, #tpu.memory_space<vmem>>[vector<16xi32>], vector<16xf32>,
      %parallel_loop3A_81 = arith.constant 16 : i32
      %parallel_loop3A_82 = arith.muli %parallel_loop3A_37, %parallel_loop3A_81 : i32
      %parallel_loop3A_83 = arith.constant 4 : i32
      %parallel_loop3A_84 = arith.index_cast %parallel_loop3A_83 : i32 to index
      %parallel_loop3A_85 = arith.index_cast %parallel_loop3A_82 : i32 to index
      %parallel_loop3A_86 = tpu.vector_load %arg7[%parallel_loop3A_84, %parallel_loop3A_85] {strides = array<i32>} : memref<32x2048xf32, #tpu.memory_space<vmem>>, vector<16xf32>,
      tpu.vector_store %arg7[%parallel_loop3A_84, %parallel_loop3A_85], %parallel_loop3A_80 {strides = array<i32>} : memref<32x2048xf32, #tpu.memory_space<vmem>>, vector<16xf32>,
      %parallel_loop3A_87 = arith.constant 2560 : i32
      %parallel_loop3A_88 = tpu.memref_slice %arg6[%parallel_loop3A_87] : memref<16384xf32, #tpu.memory_space<vmem>> -> memref<512xf32, #tpu.memory_space<vmem>>
      %parallel_loop3A_89 = tpu.vector_load_idx %parallel_loop3A_88[%parallel_loop3A_41] : memref<512xf32, #tpu.memory_space<vmem>>[vector<16xi32>], vector<16xf32>,
      %parallel_loop3A_90 = arith.constant 16 : i32
      %parallel_loop3A_91 = arith.muli %parallel_loop3A_37, %parallel_loop3A_90 : i32
      %parallel_loop3A_92 = arith.constant 5 : i32
      %parallel_loop3A_93 = arith.index_cast %parallel_loop3A_92 : i32 to index
      %parallel_loop3A_94 = arith.index_cast %parallel_loop3A_91 : i32 to index
      %parallel_loop3A_95 = tpu.vector_load %arg7[%parallel_loop3A_93, %parallel_loop3A_94] {strides = array<i32>} : memref<32x2048xf32, #tpu.memory_space<vmem>>, vector<16xf32>,
      tpu.vector_store %arg7[%parallel_loop3A_93, %parallel_loop3A_94], %parallel_loop3A_89 {strides = array<i32>} : memref<32x2048xf32, #tpu.memory_space<vmem>>, vector<16xf32>,
      %parallel_loop3A_96 = arith.constant 3072 : i32
      %parallel_loop3A_97 = tpu.memref_slice %arg6[%parallel_loop3A_96] : memref<16384xf32, #tpu.memory_space<vmem>> -> memref<512xf32, #tpu.memory_space<vmem>>
      %parallel_loop3A_98 = tpu.vector_load_idx %parallel_loop3A_97[%parallel_loop3A_41] : memref<512xf32, #tpu.memory_space<vmem>>[vector<16xi32>], vector<16xf32>,
      %parallel_loop3A_99 = arith.constant 16 : i32
      %parallel_loop3A_100 = arith.muli %parallel_loop3A_37, %parallel_loop3A_99 : i32
      %parallel_loop3A_101 = arith.constant 6 : i32
      %parallel_loop3A_102 = arith.index_cast %parallel_loop3A_101 : i32 to index
      %parallel_loop3A_103 = arith.index_cast %parallel_loop3A_100 : i32 to index
      %parallel_loop3A_104 = tpu.vector_load %arg7[%parallel_loop3A_102, %parallel_loop3A_103] {strides = array<i32>} : memref<32x2048xf32, #tpu.memory_space<vmem>>, vector<16xf32>,
      tpu.vector_store %arg7[%parallel_loop3A_102, %parallel_loop3A_103], %parallel_loop3A_98 {strides = array<i32>} : memref<32x2048xf32, #tpu.memory_space<vmem>>, vector<16xf32>,
      %parallel_loop3A_105 = arith.constant 3584 : i32
      %parallel_loop3A_106 = tpu.memref_slice %arg6[%parallel_loop3A_105] : memref<16384xf32, #tpu.memory_space<vmem>> -> memref<512xf32, #tpu.memory_space<vmem>>
      %parallel_loop3A_107 = tpu.vector_load_idx %parallel_loop3A_106[%parallel_loop3A_41] : memref<512xf32, #tpu.memory_space<vmem>>[vector<16xi32>], vector<16xf32>,
      %parallel_loop3A_108 = arith.constant 16 : i32
      %parallel_loop3A_109 = arith.muli %parallel_loop3A_37, %parallel_loop3A_108 : i32
      %parallel_loop3A_110 = arith.constant 7 : i32
      %parallel_loop3A_111 = arith.index_cast %parallel_loop3A_110 : i32 to index
      %parallel_loop3A_112 = arith.index_cast %parallel_loop3A_109 : i32 to index
      %parallel_loop3A_113 = tpu.vector_load %arg7[%parallel_loop3A_111, %parallel_loop3A_112] {strides = array<i32>} : memref<32x2048xf32, #tpu.memory_space<vmem>>, vector<16xf32>,
      tpu.vector_store %arg7[%parallel_loop3A_111, %parallel_loop3A_112], %parallel_loop3A_107 {strides = array<i32>} : memref<32x2048xf32, #tpu.memory_space<vmem>>, vector<16xf32>,
      %parallel_loop3A_114 = arith.constant 4096 : i32
      %parallel_loop3A_115 = tpu.memref_slice %arg6[%parallel_loop3A_114] : memref<16384xf32, #tpu.memory_space<vmem>> -> memref<512xf32, #tpu.memory_space<vmem>>
      %parallel_loop3A_116 = tpu.vector_load_idx %parallel_loop3A_115[%parallel_loop3A_41] : memref<512xf32, #tpu.memory_space<vmem>>[vector<16xi32>], vector<16xf32>,
      %parallel_loop3A_117 = arith.constant 16 : i32
      %parallel_loop3A_118 = arith.muli %parallel_loop3A_37, %parallel_loop3A_117 : i32
      %parallel_loop3A_119 = arith.constant 8 : i32
      %parallel_loop3A_120 = arith.index_cast %parallel_loop3A_119 : i32 to index
      %parallel_loop3A_121 = arith.index_cast %parallel_loop3A_118 : i32 to index
      %parallel_loop3A_122 = tpu.vector_load %arg7[%parallel_loop3A_120, %parallel_loop3A_121] {strides = array<i32>} : memref<32x2048xf32, #tpu.memory_space<vmem>>, vector<16xf32>,
      tpu.vector_store %arg7[%parallel_loop3A_120, %parallel_loop3A_121], %parallel_loop3A_116 {strides = array<i32>} : memref<32x2048xf32, #tpu.memory_space<vmem>>, vector<16xf32>,
      %parallel_loop3A_123 = arith.constant 4608 : i32
      %parallel_loop3A_124 = tpu.memref_slice %arg6[%parallel_loop3A_123] : memref<16384xf32, #tpu.memory_space<vmem>> -> memref<512xf32, #tpu.memory_space<vmem>>
      %parallel_loop3A_125 = tpu.vector_load_idx %parallel_loop3A_124[%parallel_loop3A_41] : memref<512xf32, #tpu.memory_space<vmem>>[vector<16xi32>], vector<16xf32>,
      %parallel_loop3A_126 = arith.constant 16 : i32
      %parallel_loop3A_127 = arith.muli %parallel_loop3A_37, %parallel_loop3A_126 : i32
      %parallel_loop3A_128 = arith.constant 9 : i32
      %parallel_loop3A_129 = arith.index_cast %parallel_loop3A_128 : i32 to index
      %parallel_loop3A_130 = arith.index_cast %parallel_loop3A_127 : i32 to index
      %parallel_loop3A_131 = tpu.vector_load %arg7[%parallel_loop3A_129, %parallel_loop3A_130] {strides = array<i32>} : memref<32x2048xf32, #tpu.memory_space<vmem>>, vector<16xf32>,
      tpu.vector_store %arg7[%parallel_loop3A_129, %parallel_loop3A_130], %parallel_loop3A_125 {strides = array<i32>} : memref<32x2048xf32, #tpu.memory_space<vmem>>, vector<16xf32>,
      %parallel_loop3A_132 = arith.constant 5120 : i32
      %parallel_loop3A_133 = tpu.memref_slice %arg6[%parallel_loop3A_132] : memref<16384xf32, #tpu.memory_space<vmem>> -> memref<512xf32, #tpu.memory_space<vmem>>
      %parallel_loop3A_134 = tpu.vector_load_idx %parallel_loop3A_133[%parallel_loop3A_41] : memref<512xf32, #tpu.memory_space<vmem>>[vector<16xi32>], vector<16xf32>,
      %parallel_loop3A_135 = arith.constant 16 : i32
      %parallel_loop3A_136 = arith.muli %parallel_loop3A_37, %parallel_loop3A_135 : i32
      %parallel_loop3A_137 = arith.constant 10 : i32
      %parallel_loop3A_138 = arith.index_cast %parallel_loop3A_137 : i32 to index
      %parallel_loop3A_139 = arith.index_cast %parallel_loop3A_136 : i32 to index
      %parallel_loop3A_140 = tpu.vector_load %arg7[%parallel_loop3A_138, %parallel_loop3A_139] {strides = array<i32>} : memref<32x2048xf32, #tpu.memory_space<vmem>>, vector<16xf32>,
      tpu.vector_store %arg7[%parallel_loop3A_138, %parallel_loop3A_139], %parallel_loop3A_134 {strides = array<i32>} : memref<32x2048xf32, #tpu.memory_space<vmem>>, vector<16xf32>,
      %parallel_loop3A_141 = arith.constant 5632 : i32
      %parallel_loop3A_142 = tpu.memref_slice %arg6[%parallel_loop3A_141] : memref<16384xf32, #tpu.memory_space<vmem>> -> memref<512xf32, #tpu.memory_space<vmem>>
      %parallel_loop3A_143 = tpu.vector_load_idx %parallel_loop3A_142[%parallel_loop3A_41] : memref<512xf32, #tpu.memory_space<vmem>>[vector<16xi32>], vector<16xf32>,
      %parallel_loop3A_144 = arith.constant 16 : i32
      %parallel_loop3A_145 = arith.muli %parallel_loop3A_37, %parallel_loop3A_144 : i32
      %parallel_loop3A_146 = arith.constant 11 : i32
      %parallel_loop3A_147 = arith.index_cast %parallel_loop3A_146 : i32 to index
      %parallel_loop3A_148 = arith.index_cast %parallel_loop3A_145 : i32 to index
      %parallel_loop3A_149 = tpu.vector_load %arg7[%parallel_loop3A_147, %parallel_loop3A_148] {strides = array<i32>} : memref<32x2048xf32, #tpu.memory_space<vmem>>, vector<16xf32>,
      tpu.vector_store %arg7[%parallel_loop3A_147, %parallel_loop3A_148], %parallel_loop3A_143 {strides = array<i32>} : memref<32x2048xf32, #tpu.memory_space<vmem>>, vector<16xf32>,
      %parallel_loop3A_150 = arith.constant 6144 : i32
      %parallel_loop3A_151 = tpu.memref_slice %arg6[%parallel_loop3A_150] : memref<16384xf32, #tpu.memory_space<vmem>> -> memref<512xf32, #tpu.memory_space<vmem>>
      %parallel_loop3A_152 = tpu.vector_load_idx %parallel_loop3A_151[%parallel_loop3A_41] : memref<512xf32, #tpu.memory_space<vmem>>[vector<16xi32>], vector<16xf32>,
      %parallel_loop3A_153 = arith.constant 16 : i32
      %parallel_loop3A_154 = arith.muli %parallel_loop3A_37, %parallel_loop3A_153 : i32
      %parallel_loop3A_155 = arith.constant 12 : i32
      %parallel_loop3A_156 = arith.index_cast %parallel_loop3A_155 : i32 to index
      %parallel_loop3A_157 = arith.index_cast %parallel_loop3A_154 : i32 to index
      %parallel_loop3A_158 = tpu.vector_load %arg7[%parallel_loop3A_156, %parallel_loop3A_157] {strides = array<i32>} : memref<32x2048xf32, #tpu.memory_space<vmem>>, vector<16xf32>,
      tpu.vector_store %arg7[%parallel_loop3A_156, %parallel_loop3A_157], %parallel_loop3A_152 {strides = array<i32>} : memref<32x2048xf32, #tpu.memory_space<vmem>>, vector<16xf32>,
      %parallel_loop3A_159 = arith.constant 6656 : i32
      %parallel_loop3A_160 = tpu.memref_slice %arg6[%parallel_loop3A_159] : memref<16384xf32, #tpu.memory_space<vmem>> -> memref<512xf32, #tpu.memory_space<vmem>>
      %parallel_loop3A_161 = tpu.vector_load_idx %parallel_loop3A_160[%parallel_loop3A_41] : memref<512xf32, #tpu.memory_space<vmem>>[vector<16xi32>], vector<16xf32>,
      %parallel_loop3A_162 = arith.constant 16 : i32
      %parallel_loop3A_163 = arith.muli %parallel_loop3A_37, %parallel_loop3A_162 : i32
      %parallel_loop3A_164 = arith.constant 13 : i32
      %parallel_loop3A_165 = arith.index_cast %parallel_loop3A_164 : i32 to index
      %parallel_loop3A_166 = arith.index_cast %parallel_loop3A_163 : i32 to index
      %parallel_loop3A_167 = tpu.vector_load %arg7[%parallel_loop3A_165, %parallel_loop3A_166] {strides = array<i32>} : memref<32x2048xf32, #tpu.memory_space<vmem>>, vector<16xf32>,
      tpu.vector_store %arg7[%parallel_loop3A_165, %parallel_loop3A_166], %parallel_loop3A_161 {strides = array<i32>} : memref<32x2048xf32, #tpu.memory_space<vmem>>, vector<16xf32>,
      %parallel_loop3A_168 = arith.constant 7168 : i32
      %parallel_loop3A_169 = tpu.memref_slice %arg6[%parallel_loop3A_168] : memref<16384xf32, #tpu.memory_space<vmem>> -> memref<512xf32, #tpu.memory_space<vmem>>
      %parallel_loop3A_170 = tpu.vector_load_idx %parallel_loop3A_169[%parallel_loop3A_41] : memref<512xf32, #tpu.memory_space<vmem>>[vector<16xi32>], vector<16xf32>,
      %parallel_loop3A_171 = arith.constant 16 : i32
      %parallel_loop3A_172 = arith.muli %parallel_loop3A_37, %parallel_loop3A_171 : i32
      %parallel_loop3A_173 = arith.constant 14 : i32
      %parallel_loop3A_174 = arith.index_cast %parallel_loop3A_173 : i32 to index
      %parallel_loop3A_175 = arith.index_cast %parallel_loop3A_172 : i32 to index
      %parallel_loop3A_176 = tpu.vector_load %arg7[%parallel_loop3A_174, %parallel_loop3A_175] {strides = array<i32>} : memref<32x2048xf32, #tpu.memory_space<vmem>>, vector<16xf32>,
      tpu.vector_store %arg7[%parallel_loop3A_174, %parallel_loop3A_175], %parallel_loop3A_170 {strides = array<i32>} : memref<32x2048xf32, #tpu.memory_space<vmem>>, vector<16xf32>,
      %parallel_loop3A_177 = arith.constant 7680 : i32
      %parallel_loop3A_178 = tpu.memref_slice %arg6[%parallel_loop3A_177] : memref<16384xf32, #tpu.memory_space<vmem>> -> memref<512xf32, #tpu.memory_space<vmem>>
      %parallel_loop3A_179 = tpu.vector_load_idx %parallel_loop3A_178[%parallel_loop3A_41] : memref<512xf32, #tpu.memory_space<vmem>>[vector<16xi32>], vector<16xf32>,
      %parallel_loop3A_180 = arith.constant 16 : i32
      %parallel_loop3A_181 = arith.muli %parallel_loop3A_37, %parallel_loop3A_180 : i32
      %parallel_loop3A_182 = arith.constant 15 : i32
      %parallel_loop3A_183 = arith.index_cast %parallel_loop3A_182 : i32 to index
      %parallel_loop3A_184 = arith.index_cast %parallel_loop3A_181 : i32 to index
      %parallel_loop3A_185 = tpu.vector_load %arg7[%parallel_loop3A_183, %parallel_loop3A_184] {strides = array<i32>} : memref<32x2048xf32, #tpu.memory_space<vmem>>, vector<16xf32>,
      tpu.vector_store %arg7[%parallel_loop3A_183, %parallel_loop3A_184], %parallel_loop3A_179 {strides = array<i32>} : memref<32x2048xf32, #tpu.memory_space<vmem>>, vector<16xf32>,
      %parallel_loop3A_186 = arith.constant 8192 : i32
      %parallel_loop3A_187 = tpu.memref_slice %arg6[%parallel_loop3A_186] : memref<16384xf32, #tpu.memory_space<vmem>> -> memref<512xf32, #tpu.memory_space<vmem>>
      %parallel_loop3A_188 = tpu.vector_load_idx %parallel_loop3A_187[%parallel_loop3A_41] : memref<512xf32, #tpu.memory_space<vmem>>[vector<16xi32>], vector<16xf32>,
      %parallel_loop3A_189 = arith.constant 16 : i32
      %parallel_loop3A_190 = arith.muli %parallel_loop3A_37, %parallel_loop3A_189 : i32
      %parallel_loop3A_191 = arith.constant 16 : i32
      %parallel_loop3A_192 = arith.index_cast %parallel_loop3A_191 : i32 to index
      %parallel_loop3A_193 = arith.index_cast %parallel_loop3A_190 : i32 to index
      %parallel_loop3A_194 = tpu.vector_load %arg7[%parallel_loop3A_192, %parallel_loop3A_193] {strides = array<i32>} : memref<32x2048xf32, #tpu.memory_space<vmem>>, vector<16xf32>,
      tpu.vector_store %arg7[%parallel_loop3A_192, %parallel_loop3A_193], %parallel_loop3A_188 {strides = array<i32>} : memref<32x2048xf32, #tpu.memory_space<vmem>>, vector<16xf32>,
      %parallel_loop3A_195 = arith.constant 8704 : i32
      %parallel_loop3A_196 = tpu.memref_slice %arg6[%parallel_loop3A_195] : memref<16384xf32, #tpu.memory_space<vmem>> -> memref<512xf32, #tpu.memory_space<vmem>>
      %parallel_loop3A_197 = tpu.vector_load_idx %parallel_loop3A_196[%parallel_loop3A_41] : memref<512xf32, #tpu.memory_space<vmem>>[vector<16xi32>], vector<16xf32>,
      %parallel_loop3A_198 = arith.constant 16 : i32
      %parallel_loop3A_199 = arith.muli %parallel_loop3A_37, %parallel_loop3A_198 : i32
      %parallel_loop3A_200 = arith.constant 17 : i32
      %parallel_loop3A_201 = arith.index_cast %parallel_loop3A_200 : i32 to index
      %parallel_loop3A_202 = arith.index_cast %parallel_loop3A_199 : i32 to index
      %parallel_loop3A_203 = tpu.vector_load %arg7[%parallel_loop3A_201, %parallel_loop3A_202] {strides = array<i32>} : memref<32x2048xf32, #tpu.memory_space<vmem>>, vector<16xf32>,
      tpu.vector_store %arg7[%parallel_loop3A_201, %parallel_loop3A_202], %parallel_loop3A_197 {strides = array<i32>} : memref<32x2048xf32, #tpu.memory_space<vmem>>, vector<16xf32>,
      %parallel_loop3A_204 = arith.constant 9216 : i32
      %parallel_loop3A_205 = tpu.memref_slice %arg6[%parallel_loop3A_204] : memref<16384xf32, #tpu.memory_space<vmem>> -> memref<512xf32, #tpu.memory_space<vmem>>
      %parallel_loop3A_206 = tpu.vector_load_idx %parallel_loop3A_205[%parallel_loop3A_41] : memref<512xf32, #tpu.memory_space<vmem>>[vector<16xi32>], vector<16xf32>,
      %parallel_loop3A_207 = arith.constant 16 : i32
      %parallel_loop3A_208 = arith.muli %parallel_loop3A_37, %parallel_loop3A_207 : i32
      %parallel_loop3A_209 = arith.constant 18 : i32
      %parallel_loop3A_210 = arith.index_cast %parallel_loop3A_209 : i32 to index
      %parallel_loop3A_211 = arith.index_cast %parallel_loop3A_208 : i32 to index
      %parallel_loop3A_212 = tpu.vector_load %arg7[%parallel_loop3A_210, %parallel_loop3A_211] {strides = array<i32>} : memref<32x2048xf32, #tpu.memory_space<vmem>>, vector<16xf32>,
      tpu.vector_store %arg7[%parallel_loop3A_210, %parallel_loop3A_211], %parallel_loop3A_206 {strides = array<i32>} : memref<32x2048xf32, #tpu.memory_space<vmem>>, vector<16xf32>,
      %parallel_loop3A_213 = arith.constant 9728 : i32
      %parallel_loop3A_214 = tpu.memref_slice %arg6[%parallel_loop3A_213] : memref<16384xf32, #tpu.memory_space<vmem>> -> memref<512xf32, #tpu.memory_space<vmem>>
      %parallel_loop3A_215 = tpu.vector_load_idx %parallel_loop3A_214[%parallel_loop3A_41] : memref<512xf32, #tpu.memory_space<vmem>>[vector<16xi32>], vector<16xf32>,
      %parallel_loop3A_216 = arith.constant 16 : i32
      %parallel_loop3A_217 = arith.muli %parallel_loop3A_37, %parallel_loop3A_216 : i32
      %parallel_loop3A_218 = arith.constant 19 : i32
      %parallel_loop3A_219 = arith.index_cast %parallel_loop3A_218 : i32 to index
      %parallel_loop3A_220 = arith.index_cast %parallel_loop3A_217 : i32 to index
      %parallel_loop3A_221 = tpu.vector_load %arg7[%parallel_loop3A_219, %parallel_loop3A_220] {strides = array<i32>} : memref<32x2048xf32, #tpu.memory_space<vmem>>, vector<16xf32>,
      tpu.vector_store %arg7[%parallel_loop3A_219, %parallel_loop3A_220], %parallel_loop3A_215 {strides = array<i32>} : memref<32x2048xf32, #tpu.memory_space<vmem>>, vector<16xf32>,
      %parallel_loop3A_222 = arith.constant 10240 : i32
      %parallel_loop3A_223 = tpu.memref_slice %arg6[%parallel_loop3A_222] : memref<16384xf32, #tpu.memory_space<vmem>> -> memref<512xf32, #tpu.memory_space<vmem>>
      %parallel_loop3A_224 = tpu.vector_load_idx %parallel_loop3A_223[%parallel_loop3A_41] : memref<512xf32, #tpu.memory_space<vmem>>[vector<16xi32>], vector<16xf32>,
      %parallel_loop3A_225 = arith.constant 16 : i32
      %parallel_loop3A_226 = arith.muli %parallel_loop3A_37, %parallel_loop3A_225 : i32
      %parallel_loop3A_227 = arith.constant 20 : i32
      %parallel_loop3A_228 = arith.index_cast %parallel_loop3A_227 : i32 to index
      %parallel_loop3A_229 = arith.index_cast %parallel_loop3A_226 : i32 to index
      %parallel_loop3A_230 = tpu.vector_load %arg7[%parallel_loop3A_228, %parallel_loop3A_229] {strides = array<i32>} : memref<32x2048xf32, #tpu.memory_space<vmem>>, vector<16xf32>,
      tpu.vector_store %arg7[%parallel_loop3A_228, %parallel_loop3A_229], %parallel_loop3A_224 {strides = array<i32>} : memref<32x2048xf32, #tpu.memory_space<vmem>>, vector<16xf32>,
      %parallel_loop3A_231 = arith.constant 10752 : i32
      %parallel_loop3A_232 = tpu.memref_slice %arg6[%parallel_loop3A_231] : memref<16384xf32, #tpu.memory_space<vmem>> -> memref<512xf32, #tpu.memory_space<vmem>>
      %parallel_loop3A_233 = tpu.vector_load_idx %parallel_loop3A_232[%parallel_loop3A_41] : memref<512xf32, #tpu.memory_space<vmem>>[vector<16xi32>], vector<16xf32>,
      %parallel_loop3A_234 = arith.constant 16 : i32
      %parallel_loop3A_235 = arith.muli %parallel_loop3A_37, %parallel_loop3A_234 : i32
      %parallel_loop3A_236 = arith.constant 21 : i32
      %parallel_loop3A_237 = arith.index_cast %parallel_loop3A_236 : i32 to index
      %parallel_loop3A_238 = arith.index_cast %parallel_loop3A_235 : i32 to index
      %parallel_loop3A_239 = tpu.vector_load %arg7[%parallel_loop3A_237, %parallel_loop3A_238] {strides = array<i32>} : memref<32x2048xf32, #tpu.memory_space<vmem>>, vector<16xf32>,
      tpu.vector_store %arg7[%parallel_loop3A_237, %parallel_loop3A_238], %parallel_loop3A_233 {strides = array<i32>} : memref<32x2048xf32, #tpu.memory_space<vmem>>, vector<16xf32>,
      %parallel_loop3A_240 = arith.constant 11264 : i32
      %parallel_loop3A_241 = tpu.memref_slice %arg6[%parallel_loop3A_240] : memref<16384xf32, #tpu.memory_space<vmem>> -> memref<512xf32, #tpu.memory_space<vmem>>
      %parallel_loop3A_242 = tpu.vector_load_idx %parallel_loop3A_241[%parallel_loop3A_41] : memref<512xf32, #tpu.memory_space<vmem>>[vector<16xi32>], vector<16xf32>,
      %parallel_loop3A_243 = arith.constant 16 : i32
      %parallel_loop3A_244 = arith.muli %parallel_loop3A_37, %parallel_loop3A_243 : i32
      %parallel_loop3A_245 = arith.constant 22 : i32
      %parallel_loop3A_246 = arith.index_cast %parallel_loop3A_245 : i32 to index
      %parallel_loop3A_247 = arith.index_cast %parallel_loop3A_244 : i32 to index
      %parallel_loop3A_248 = tpu.vector_load %arg7[%parallel_loop3A_246, %parallel_loop3A_247] {strides = array<i32>} : memref<32x2048xf32, #tpu.memory_space<vmem>>, vector<16xf32>,
      tpu.vector_store %arg7[%parallel_loop3A_246, %parallel_loop3A_247], %parallel_loop3A_242 {strides = array<i32>} : memref<32x2048xf32, #tpu.memory_space<vmem>>, vector<16xf32>,
      %parallel_loop3A_249 = arith.constant 11776 : i32
      %parallel_loop3A_250 = tpu.memref_slice %arg6[%parallel_loop3A_249] : memref<16384xf32, #tpu.memory_space<vmem>> -> memref<512xf32, #tpu.memory_space<vmem>>
      %parallel_loop3A_251 = tpu.vector_load_idx %parallel_loop3A_250[%parallel_loop3A_41] : memref<512xf32, #tpu.memory_space<vmem>>[vector<16xi32>], vector<16xf32>,
      %parallel_loop3A_252 = arith.constant 16 : i32
      %parallel_loop3A_253 = arith.muli %parallel_loop3A_37, %parallel_loop3A_252 : i32
      %parallel_loop3A_254 = arith.constant 23 : i32
      %parallel_loop3A_255 = arith.index_cast %parallel_loop3A_254 : i32 to index
      %parallel_loop3A_256 = arith.index_cast %parallel_loop3A_253 : i32 to index
      %parallel_loop3A_257 = tpu.vector_load %arg7[%parallel_loop3A_255, %parallel_loop3A_256] {strides = array<i32>} : memref<32x2048xf32, #tpu.memory_space<vmem>>, vector<16xf32>,
      tpu.vector_store %arg7[%parallel_loop3A_255, %parallel_loop3A_256], %parallel_loop3A_251 {strides = array<i32>} : memref<32x2048xf32, #tpu.memory_space<vmem>>, vector<16xf32>,
      %parallel_loop3A_258 = arith.constant 12288 : i32
      %parallel_loop3A_259 = tpu.memref_slice %arg6[%parallel_loop3A_258] : memref<16384xf32, #tpu.memory_space<vmem>> -> memref<512xf32, #tpu.memory_space<vmem>>
      %parallel_loop3A_260 = tpu.vector_load_idx %parallel_loop3A_259[%parallel_loop3A_41] : memref<512xf32, #tpu.memory_space<vmem>>[vector<16xi32>], vector<16xf32>,
      %parallel_loop3A_261 = arith.constant 16 : i32
      %parallel_loop3A_262 = arith.muli %parallel_loop3A_37, %parallel_loop3A_261 : i32
      %parallel_loop3A_263 = arith.constant 24 : i32
      %parallel_loop3A_264 = arith.index_cast %parallel_loop3A_263 : i32 to index
      %parallel_loop3A_265 = arith.index_cast %parallel_loop3A_262 : i32 to index
      %parallel_loop3A_266 = tpu.vector_load %arg7[%parallel_loop3A_264, %parallel_loop3A_265] {strides = array<i32>} : memref<32x2048xf32, #tpu.memory_space<vmem>>, vector<16xf32>,
      tpu.vector_store %arg7[%parallel_loop3A_264, %parallel_loop3A_265], %parallel_loop3A_260 {strides = array<i32>} : memref<32x2048xf32, #tpu.memory_space<vmem>>, vector<16xf32>,
      %parallel_loop3A_267 = arith.constant 12800 : i32
      %parallel_loop3A_268 = tpu.memref_slice %arg6[%parallel_loop3A_267] : memref<16384xf32, #tpu.memory_space<vmem>> -> memref<512xf32, #tpu.memory_space<vmem>>
      %parallel_loop3A_269 = tpu.vector_load_idx %parallel_loop3A_268[%parallel_loop3A_41] : memref<512xf32, #tpu.memory_space<vmem>>[vector<16xi32>], vector<16xf32>,
      %parallel_loop3A_270 = arith.constant 16 : i32
      %parallel_loop3A_271 = arith.muli %parallel_loop3A_37, %parallel_loop3A_270 : i32
      %parallel_loop3A_272 = arith.constant 25 : i32
      %parallel_loop3A_273 = arith.index_cast %parallel_loop3A_272 : i32 to index
      %parallel_loop3A_274 = arith.index_cast %parallel_loop3A_271 : i32 to index
      %parallel_loop3A_275 = tpu.vector_load %arg7[%parallel_loop3A_273, %parallel_loop3A_274] {strides = array<i32>} : memref<32x2048xf32, #tpu.memory_space<vmem>>, vector<16xf32>,
      tpu.vector_store %arg7[%parallel_loop3A_273, %parallel_loop3A_274], %parallel_loop3A_269 {strides = array<i32>} : memref<32x2048xf32, #tpu.memory_space<vmem>>, vector<16xf32>,
      %parallel_loop3A_276 = arith.constant 13312 : i32
      %parallel_loop3A_277 = tpu.memref_slice %arg6[%parallel_loop3A_276] : memref<16384xf32, #tpu.memory_space<vmem>> -> memref<512xf32, #tpu.memory_space<vmem>>
      %parallel_loop3A_278 = tpu.vector_load_idx %parallel_loop3A_277[%parallel_loop3A_41] : memref<512xf32, #tpu.memory_space<vmem>>[vector<16xi32>], vector<16xf32>,
      %parallel_loop3A_279 = arith.constant 16 : i32
      %parallel_loop3A_280 = arith.muli %parallel_loop3A_37, %parallel_loop3A_279 : i32
      %parallel_loop3A_281 = arith.constant 26 : i32
      %parallel_loop3A_282 = arith.index_cast %parallel_loop3A_281 : i32 to index
      %parallel_loop3A_283 = arith.index_cast %parallel_loop3A_280 : i32 to index
      %parallel_loop3A_284 = tpu.vector_load %arg7[%parallel_loop3A_282, %parallel_loop3A_283] {strides = array<i32>} : memref<32x2048xf32, #tpu.memory_space<vmem>>, vector<16xf32>,
      tpu.vector_store %arg7[%parallel_loop3A_282, %parallel_loop3A_283], %parallel_loop3A_278 {strides = array<i32>} : memref<32x2048xf32, #tpu.memory_space<vmem>>, vector<16xf32>,
      %parallel_loop3A_285 = arith.constant 13824 : i32
      %parallel_loop3A_286 = tpu.memref_slice %arg6[%parallel_loop3A_285] : memref<16384xf32, #tpu.memory_space<vmem>> -> memref<512xf32, #tpu.memory_space<vmem>>
      %parallel_loop3A_287 = tpu.vector_load_idx %parallel_loop3A_286[%parallel_loop3A_41] : memref<512xf32, #tpu.memory_space<vmem>>[vector<16xi32>], vector<16xf32>,
      %parallel_loop3A_288 = arith.constant 16 : i32
      %parallel_loop3A_289 = arith.muli %parallel_loop3A_37, %parallel_loop3A_288 : i32
      %parallel_loop3A_290 = arith.constant 27 : i32
      %parallel_loop3A_291 = arith.index_cast %parallel_loop3A_290 : i32 to index
      %parallel_loop3A_292 = arith.index_cast %parallel_loop3A_289 : i32 to index
      %parallel_loop3A_293 = tpu.vector_load %arg7[%parallel_loop3A_291, %parallel_loop3A_292] {strides = array<i32>} : memref<32x2048xf32, #tpu.memory_space<vmem>>, vector<16xf32>,
      tpu.vector_store %arg7[%parallel_loop3A_291, %parallel_loop3A_292], %parallel_loop3A_287 {strides = array<i32>} : memref<32x2048xf32, #tpu.memory_space<vmem>>, vector<16xf32>,
      %parallel_loop3A_294 = arith.constant 14336 : i32
      %parallel_loop3A_295 = tpu.memref_slice %arg6[%parallel_loop3A_294] : memref<16384xf32, #tpu.memory_space<vmem>> -> memref<512xf32, #tpu.memory_space<vmem>>
      %parallel_loop3A_296 = tpu.vector_load_idx %parallel_loop3A_295[%parallel_loop3A_41] : memref<512xf32, #tpu.memory_space<vmem>>[vector<16xi32>], vector<16xf32>,
      %parallel_loop3A_297 = arith.constant 16 : i32
      %parallel_loop3A_298 = arith.muli %parallel_loop3A_37, %parallel_loop3A_297 : i32
      %parallel_loop3A_299 = arith.constant 28 : i32
      %parallel_loop3A_300 = arith.index_cast %parallel_loop3A_299 : i32 to index
      %parallel_loop3A_301 = arith.index_cast %parallel_loop3A_298 : i32 to index
      %parallel_loop3A_302 = tpu.vector_load %arg7[%parallel_loop3A_300, %parallel_loop3A_301] {strides = array<i32>} : memref<32x2048xf32, #tpu.memory_space<vmem>>, vector<16xf32>,
      tpu.vector_store %arg7[%parallel_loop3A_300, %parallel_loop3A_301], %parallel_loop3A_296 {strides = array<i32>} : memref<32x2048xf32, #tpu.memory_space<vmem>>, vector<16xf32>,
      %parallel_loop3A_303 = arith.constant 14848 : i32
      %parallel_loop3A_304 = tpu.memref_slice %arg6[%parallel_loop3A_303] : memref<16384xf32, #tpu.memory_space<vmem>> -> memref<512xf32, #tpu.memory_space<vmem>>
      %parallel_loop3A_305 = tpu.vector_load_idx %parallel_loop3A_304[%parallel_loop3A_41] : memref<512xf32, #tpu.memory_space<vmem>>[vector<16xi32>], vector<16xf32>,
      %parallel_loop3A_306 = arith.constant 16 : i32
      %parallel_loop3A_307 = arith.muli %parallel_loop3A_37, %parallel_loop3A_306 : i32
      %parallel_loop3A_308 = arith.constant 29 : i32
      %parallel_loop3A_309 = arith.index_cast %parallel_loop3A_308 : i32 to index
      %parallel_loop3A_310 = arith.index_cast %parallel_loop3A_307 : i32 to index
      %parallel_loop3A_311 = tpu.vector_load %arg7[%parallel_loop3A_309, %parallel_loop3A_310] {strides = array<i32>} : memref<32x2048xf32, #tpu.memory_space<vmem>>, vector<16xf32>,
      tpu.vector_store %arg7[%parallel_loop3A_309, %parallel_loop3A_310], %parallel_loop3A_305 {strides = array<i32>} : memref<32x2048xf32, #tpu.memory_space<vmem>>, vector<16xf32>,
      %parallel_loop3A_312 = arith.constant 15360 : i32
      %parallel_loop3A_313 = tpu.memref_slice %arg6[%parallel_loop3A_312] : memref<16384xf32, #tpu.memory_space<vmem>> -> memref<512xf32, #tpu.memory_space<vmem>>
      %parallel_loop3A_314 = tpu.vector_load_idx %parallel_loop3A_313[%parallel_loop3A_41] : memref<512xf32, #tpu.memory_space<vmem>>[vector<16xi32>], vector<16xf32>,
      %parallel_loop3A_315 = arith.constant 16 : i32
      %parallel_loop3A_316 = arith.muli %parallel_loop3A_37, %parallel_loop3A_315 : i32
      %parallel_loop3A_317 = arith.constant 30 : i32
      %parallel_loop3A_318 = arith.index_cast %parallel_loop3A_317 : i32 to index
      %parallel_loop3A_319 = arith.index_cast %parallel_loop3A_316 : i32 to index
      %parallel_loop3A_320 = tpu.vector_load %arg7[%parallel_loop3A_318, %parallel_loop3A_319] {strides = array<i32>} : memref<32x2048xf32, #tpu.memory_space<vmem>>, vector<16xf32>,
      tpu.vector_store %arg7[%parallel_loop3A_318, %parallel_loop3A_319], %parallel_loop3A_314 {strides = array<i32>} : memref<32x2048xf32, #tpu.memory_space<vmem>>, vector<16xf32>,
      %parallel_loop3A_321 = arith.constant 15872 : i32
      %parallel_loop3A_322 = tpu.memref_slice %arg6[%parallel_loop3A_321] : memref<16384xf32, #tpu.memory_space<vmem>> -> memref<512xf32, #tpu.memory_space<vmem>>
      %parallel_loop3A_323 = tpu.vector_load_idx %parallel_loop3A_322[%parallel_loop3A_41] : memref<512xf32, #tpu.memory_space<vmem>>[vector<16xi32>], vector<16xf32>,
      %parallel_loop3A_324 = arith.constant 16 : i32
      %parallel_loop3A_325 = arith.muli %parallel_loop3A_37, %parallel_loop3A_324 : i32
      %parallel_loop3A_326 = arith.constant 31 : i32
      %parallel_loop3A_327 = arith.index_cast %parallel_loop3A_326 : i32 to index
      %parallel_loop3A_328 = arith.index_cast %parallel_loop3A_325 : i32 to index
      %parallel_loop3A_329 = tpu.vector_load %arg7[%parallel_loop3A_327, %parallel_loop3A_328] {strides = array<i32>} : memref<32x2048xf32, #tpu.memory_space<vmem>>, vector<16xf32>,
      tpu.vector_store %arg7[%parallel_loop3A_327, %parallel_loop3A_328], %parallel_loop3A_323 {strides = array<i32>} : memref<32x2048xf32, #tpu.memory_space<vmem>>, vector<16xf32>,
    } {sc.loop_unroll_factor = 4 : i64, sc.parallel_access}
    "tpu.region"() ({
      %run_scoped3A = tpu.sem_alloc : memref<!tpu.dma_semaphore, #tpu.memory_space<semaphore_mem>>
      %dma_start3A = arith.constant 0 : i32
      %dma_start3A_37 = tpu.memref_slice %arg4[%select_n3A, %dma_start3A, %mul3A_32] : memref<4x32x16384xf32, #tpu.memory_space<hbm>> -> memref<1x32x2048xf32, #tpu.memory_space<hbm>>
      %dma_start3A_38 = tpu.memref_squeeze %dma_start3A_37 : memref<1x32x2048xf32, #tpu.memory_space<hbm>> -> memref<32x2048xf32, #tpu.memory_space<hbm>>
      %dma_start3A_39 = arith.constant 0 : i32
      %dma_start3A_40 = tpu.memref_slice %arg4[%select_n3A, %dma_start3A_39, %mul3A_32] : memref<4x32x16384xf32, #tpu.memory_space<hbm>> -> memref<1x32x2048xf32, #tpu.memory_space<hbm>>
      %dma_start3A_41 = tpu.memref_squeeze %dma_start3A_40 : memref<1x32x2048xf32, #tpu.memory_space<hbm>> -> memref<32x2048xf32, #tpu.memory_space<hbm>>
      tpu.enqueue_dma source(%arg7 : memref<32x2048xf32, #tpu.memory_space<vmem>>) target(%dma_start3A_41 : memref<32x2048xf32, #tpu.memory_space<hbm>>) target_semaphore(%run_scoped3A : memref<!tpu.dma_semaphore, #tpu.memory_space<semaphore_mem>>)
      %dma_wait3A = arith.constant 0 : i32
      %dma_wait3A_42 = tpu.memref_slice %arg4[%select_n3A, %dma_wait3A, %mul3A_32] : memref<4x32x16384xf32, #tpu.memory_space<hbm>> -> memref<1x32x2048xf32, #tpu.memory_space<hbm>>
      %dma_wait3A_43 = tpu.memref_squeeze %dma_wait3A_42 : memref<1x32x2048xf32, #tpu.memory_space<hbm>> -> memref<32x2048xf32, #tpu.memory_space<hbm>>
      %dma_wait3A_44 = arith.constant 0 : i32
      %dma_wait3A_45 = tpu.memref_slice %arg4[%select_n3A, %dma_wait3A_44, %mul3A_32] : memref<4x32x16384xf32, #tpu.memory_space<hbm>> -> memref<1x32x2048xf32, #tpu.memory_space<hbm>>
      %dma_wait3A_46 = tpu.memref_squeeze %dma_wait3A_45 : memref<1x32x2048xf32, #tpu.memory_space<hbm>> -> memref<32x2048xf32, #tpu.memory_space<hbm>>
      tpu.wait_dma2 semaphore(%run_scoped3A : memref<!tpu.dma_semaphore, #tpu.memory_space<semaphore_mem>>) src(%arg7 : memref<32x2048xf32, #tpu.memory_space<vmem>>) dst(%dma_wait3A_46 : memref<32x2048xf32, #tpu.memory_space<hbm>>)
      tpu.yield
    }) : () -> ()
    return
  }
}

module attributes {stable_mosaic.version = 14 : i64} {
  func.func @_argmin_body(%arg0: i32, %arg1: i32, %arg2: memref<512x32xf32, #tpu.memory_space<vmem>>, %arg3: memref<1x32x8192xf32, #tpu.memory_space<vmem>>, %arg4: memref<1x1x8192xi32, #tpu.memory_space<vmem>>, %arg5: memref<32x512xf32, #tpu.memory_space<vmem>>) attributes {dimension_semantics = [#tpu.dimension_semantics<parallel>, #tpu.dimension_semantics<parallel>], iteration_bounds = array<i64: 4, 2>, scalar_prefetch = 0 : i64, scratch_operands = 0 : i64, tpu.core_type = #tpu.core_type<tc>, window_params = [{pipeline_mode = #tpu.pipeline_mode<synchronous>, transform_indices = @transform_0, window_bounds = array<i64: 512, 32>}, {transform_indices = @transform_1, window_bounds = array<i64: 1, 32, 8192>}, {transform_indices = @transform_2, window_bounds = array<i64: 1, 1, 8192>}, {pipeline_mode = #tpu.pipeline_mode<synchronous>, transform_indices = @transform_3, window_bounds = array<i64: 32, 512>}]} {
    %get3A = arith.constant 0 : index
    %get3A_0 = arith.constant 0 : index
    %get3A_1 = vector.load %arg2[%get3A, %get3A_0] : memref<512x32xf32, #tpu.memory_space<vmem>>, vector<512x32xf32>
    %get3A_2 = arith.constant 0 : index
    %get3A_3 = arith.constant 0 : index
    %get3A_4 = arith.constant 0 : index
    %get3A_5 = vector.load %arg3[%get3A_2, %get3A_3, %get3A_4] : memref<1x32x8192xf32, #tpu.memory_space<vmem>>, vector<1x32x8192xf32>
    %get3A_6 = vector.shape_cast %get3A_5 : vector<1x32x8192xf32> to vector<32x8192xf32>
    %add3A = arith.addf %get3A_1, %get3A_1 : vector<512x32xf32>
    %dot_general3A = arith.constant dense<0.000000e+00> : vector<512x8192xf32>
    %dot_general3A_7 = tpu.matmul %add3A, %get3A_6, %dot_general3A {dimension_numbers = #tpu.dot_dimension_numbers<[1], [0], [0], [1], [0, 0, 1, 1], [], []>, transpose_lhs_hint = false} : vector<512x32xf32>, vector<32x8192xf32>, vector<512x8192xf32> -> vector<512x8192xf32>
    %mul3A = arith.mulf %get3A_1, %get3A_1 : vector<512x32xf32>
    %reduce_sum3A = arith.constant dense<0.000000e+00> : vector<512xf32>
    %reduce_sum3A_8 = vector.multi_reduction <add>, %mul3A, %reduce_sum3A [1] : vector<512x32xf32> to vector<512xf32>
    %broadcast_in_dim3A = vector.shape_cast %reduce_sum3A_8 : vector<512xf32> to vector<512x1xf32>
    %mul3A_9 = arith.mulf %get3A_6, %get3A_6 : vector<32x8192xf32>
    %reduce_sum3A_10 = arith.constant dense<0.000000e+00> : vector<8192xf32>
    %reduce_sum3A_11 = vector.multi_reduction <add>, %mul3A_9, %reduce_sum3A_10 [0] : vector<32x8192xf32> to vector<8192xf32>
    %broadcast_in_dim3A_12 = vector.shape_cast %reduce_sum3A_11 : vector<8192xf32> to vector<1x8192xf32>
    %add3A_13 = vector.broadcast %broadcast_in_dim3A_12 : vector<1x8192xf32> to vector<512x8192xf32>
    %add3A_14 = vector.broadcast %broadcast_in_dim3A : vector<512x1xf32> to vector<512x8192xf32>
    %add3A_15 = arith.addf %add3A_13, %add3A_14 : vector<512x8192xf32>
    %sub3A = arith.subf %add3A_15, %dot_general3A_7 : vector<512x8192xf32>
    %reduce_min3A = arith.constant dense<0x7F800000> : vector<8192xf32>
    %reduce_min3A_16 = vector.multi_reduction <minimumf>, %sub3A, %reduce_min3A [0] : vector<512x8192xf32> to vector<8192xf32>
    %broadcast_in_dim3A_17 = vector.shape_cast %reduce_min3A_16 : vector<8192xf32> to vector<1x8192xf32>
    %iota3A = tpu.iota {dimensions = array<i32: 0>} : vector<512x8192xi32>
    %eq3A = vector.broadcast %broadcast_in_dim3A_17 : vector<1x8192xf32> to vector<512x8192xf32>
    %eq3A_18 = arith.cmpf oeq, %sub3A, %eq3A : vector<512x8192xf32>
    %jit3A = arith.constant 512 : i32
    %broadcast_in_dim3A_19 = vector.broadcast %jit3A : i32 to vector<512x8192xi32>
    %select_n3A = arith.select %eq3A_18, %iota3A, %broadcast_in_dim3A_19 : vector<512x8192xi1>, vector<512x8192xi32>
    %reduce_min3A_20 = arith.constant dense<2147483647> : vector<8192xi32>
    %reduce_min3A_21 = vector.multi_reduction <minsi>, %select_n3A, %reduce_min3A_20 [0] : vector<512x8192xi32> to vector<8192xi32>
    %broadcast_in_dim3A_22 = vector.shape_cast %reduce_min3A_21 : vector<8192xi32> to vector<1x8192xi32>
    %swap3A = arith.constant 0 : index
    %swap3A_23 = arith.constant 0 : index
    %swap3A_24 = arith.constant 0 : index
    %swap3A_25 = vector.load %arg4[%swap3A, %swap3A_23, %swap3A_24] : memref<1x1x8192xi32, #tpu.memory_space<vmem>>, vector<1x1x8192xi32>
    %swap3A_26 = vector.shape_cast %swap3A_25 : vector<1x1x8192xi32> to vector<1x8192xi32>
    %swap3A_27 = vector.shape_cast %broadcast_in_dim3A_22 : vector<1x8192xi32> to vector<1x1x8192xi32>
    tpu.vector_store %arg4[%swap3A, %swap3A_23, %swap3A_24], %swap3A_27 {strides = array<i32>} : memref<1x1x8192xi32, #tpu.memory_space<vmem>>, vector<1x1x8192xi32>,
    %transpose3A = tpu.transpose %get3A_1, [1, 0] : vector<512x32xf32> -> vector<32x512xf32>
    %swap3A_28 = arith.constant 0 : index
    %swap3A_29 = arith.constant 0 : index
    %swap3A_30 = vector.load %arg5[%swap3A_28, %swap3A_29] : memref<32x512xf32, #tpu.memory_space<vmem>>, vector<32x512xf32>
    tpu.vector_store %arg5[%swap3A_28, %swap3A_29], %transpose3A {strides = array<i32>} : memref<32x512xf32, #tpu.memory_space<vmem>>, vector<32x512xf32>,
    return
  }
  func.func @transform_0(%arg0: i32, %arg1: i32) -> (i32, i32) {
    %c0_i32 = arith.constant 0 : i32
    %c0_i32_0 = arith.constant 0 : i32
    %c0_i32_1 = arith.constant 0 : i32
    return %c0_i32, %c0_i32_0 : i32, i32
  }
  func.func @transform_1(%arg0: i32, %arg1: i32) -> (i32, i32, i32) {
    %c0_i32 = arith.constant 0 : i32
    %c0_i32_0 = arith.constant 0 : i32
    return %arg0, %c0_i32, %arg1 : i32, i32, i32
  }
  func.func @transform_2(%arg0: i32, %arg1: i32) -> (i32, i32, i32) {
    %mul3A = arith.constant 2 : i32
    %mul3A_0 = arith.muli %arg0, %mul3A : i32
    %add3A = arith.addi %mul3A_0, %arg1 : i32
    %c0_i32 = arith.constant 0 : i32
    %c0_i32_1 = arith.constant 0 : i32
    %c0_i32_2 = arith.constant 0 : i32
    return %add3A, %c0_i32, %c0_i32_1 : i32, i32, i32
  }
  func.func @transform_3(%arg0: i32, %arg1: i32) -> (i32, i32) {
    %c0_i32 = arith.constant 0 : i32
    %c0_i32_0 = arith.constant 0 : i32
    %c0_i32_1 = arith.constant 0 : i32
    return %c0_i32, %c0_i32_0 : i32, i32
  }
}

</mosaic_0001>

<sc_bundles>
// kernel: kernel.4.cloned.1.call-start
scs
__scs_entry_jumppad:
0x0: {  	(pc) =	sbr.rel $0x88, $3  }
0x1: {  	(tag) =	ssettag $0x0;
	lr =	simm.s32 $0x1  }
0x2: {  	[smem:$0x3F9F] =	sst lr;
	_ =	strace $0xD0000000  }
0x3: {  	_ = 	snop  }
0x4: {  	_ = 	snop  }
0x5: {  	_ = 	snop  }
0x6: {  	_ = 	snop  }
0x7: {  	_ = 	snop  }
__scs_overlays_trampoline_lowered:
0x8: {  	[smem:$0x3FAE] =	sst s0  }
0x9: {  	[smem:$0x3FAF] =	sst s1  }
0xa: {  	[smem:$0x3FB0] =	sst s2  }
0xb: {  	[smem:$0x3FB1] =	sst s3  }
0xc: {  	[smem:$0x3FB2] =	sst s4  }
0xd: {  	[smem:$0x3FB3] =	sst s5  }
0xe: {  	[smem:$0x3FB4] =	sst s6  }
0xf: {  	[smem:$0x3FB5] =	sst s7  }
0x10: {  	[smem:$0x3FB6] =	sst s8  }
0x11: {  	[smem:$0x3FB7] =	sst s9;
	s0 =	simm.s32 @!p0 $0x0  }
0x12: {  	s1 =	sld [smem:$0x3F9D];
	s0 =	simm.s32 @p0 $0x1  }
0x13: {  	[smem:$0x3FB8] =	sst s0;
	s0 =	simm.s32 @!p1 $0x0  }
0x14: {  	s2 =	sld [smem:$0x3F9C];
	s0 =	simm.s32 @p1 $0x1  }
0x15: {  	[smem:$0x3FB9] =	sst s0;
	s0 =	simm.s32 @!p2 $0x0  }
0x16: {  	s3 =	sld [smem:$0x3FDB];
	s0 =	simm.s32 @p2 $0x1  }
0x17: {  	s4 =	simm.s32 $0x1BF5;
	[smem:$0x3FBB] =	sst s0  }
0x18: {  	s0 =	sld [smem:$0x3F9E];
	_ =	swait.ge [sflag:s4], $0x0  }
0x19: {  	s7 =	sld [smem:$0x3F9F]  }
0x1a: {  	s8 =	sadd.s32 $0xFFFFE003, lr  }
0x1b: {  	s9 =	sadd.s32 $0xFFFFFEF7, lr;
	s5 =	simm.s32 $0xFFFFFFFF;
	p2 =	slt.u32 s8, $0xFFFFF086  }
0x1c: {  	p1 =	slt.u32 s9, $0xF7A;
	s5 =	simm.s32 @!p2 $0x0  }
0x1d: {  	s5 =	simm.s32 @p1 $0x1;
	p0 =	seq.s32 s7, s2  }
0x1e: {  	s7 =	smul.u32 @!p0 $0xF7A, s2;
	p2 =	seq.s32 @!p0 s5, $0x0  }
0x1f: {  	s9 =	smul.u32 $0xF7A, s1;
	s8 =	simm.s32 @!p0 $0x1BF5;
	p2 =	por !p2, p0  }
0x20: {  	[sflag:s8] =	ssyncset.s32 @!p0 $0xFFFFF086;
	s6 =	sadd.s32 @!p0 s3, s7;
	s7 =	simm.s32 @!p0 $0x108  }
0x21: {  	s3 =	sadd.s32 s3, s9;
	s6 =	sadd.s32 @!p0 $0x88, s6;
	s7 =	simm.s32 @p2 $0x1082  }
0x22: {  	[simem:s7], [sflag:s8] =	dma.local @!p0 [hbm:s6], $0xF7A  }
0x23: {  	s9 =	sor.u32 $0xD0000000, s2;
	s6 =	simm.s32 $0x108;
	_ =	swait.ge @!p0 [sflag:s8], $0x0  }
0x24: {  	s3 =	sadd.s32 $0x88, s3;
	s6 =	simm.s32 @!p1 $0x1082;
	[sflag:s4] =	ssyncset.s32 $0xFFFFF086  }
0x25: {  	[simem:s6], [sflag:s4] =	dma.local [hbm:s3], $0xF7A  }
0x26: {  	[smem:$0x3F9F] =	sst s1;
	(tag) =	ssettag s2;
	_ =	strace s9  }
0x27: {  	s1 =	sld [smem:$0x3FAF]  }
0x28: {  	s2 =	sld [smem:$0x3FB0]  }
0x29: {  	s4 =	sld [smem:$0x3FB2]  }
0x2a: {  	p0 =	seq.s32 s5, $0x0;
	s5 =	sld [smem:$0x3FB3]  }
0x2b: {  	s6 =	sld [smem:$0x3FB4]  }
0x2c: {  	s7 =	sld [smem:$0x3FB5]  }
0x2d: {  	s3 =	simm.s32 $0x108;
	s8 =	sld [smem:$0x3FB6]  }
0x2e: {  	s3 =	simm.s32 @!p0 $0x1082;
	s9 =	sld [smem:$0x3FB7]  }
0x2f: {  	lr =	sadd.s32 s0, s3;
	s0 =	sld [smem:$0x3FAE]  }
0x30: {  	s3 =	sld [smem:$0x3FB1]  }
0x31: {  	[smem:$0x3FBA] =	sst s10  }
0x32: {  	s10 =	sld [smem:$0x3FB8];
	_ =	sdelay $0x3  }
0x33: {  	p0 =	seq.s32 s10, $0x1;
	s10 =	sld [smem:$0x3FBA];
	_ =	sdelay $0x3  }
0x34: {  	[smem:$0x3FBA] =	sst s10  }
0x35: {  	s10 =	sld [smem:$0x3FB9];
	_ =	sdelay $0x3  }
0x36: {  	p1 =	seq.s32 s10, $0x1;
	s10 =	sld [smem:$0x3FBA];
	_ =	sdelay $0x3  }
0x37: {  	[smem:$0x3FBA] =	sst s10  }
0x38: {  	s10 =	sld [smem:$0x3FBB]  }
0x39: {  	_ = 	snop;
	(pc) =	sbr.ind lr, $3  }
0x3a: {  	_ = 	snop  }
0x3b: {  	_ = 	snop  }
0x3c: {  	p2 =	seq.s32 s10, $0x1;
	s10 =	sld [smem:$0x3FBA]  }
0x3d: {  	_ =	shalt  }
0x3e: {  	_ =	shalt  }
0x3f: {  	_ =	shalt  }
0x40: {  	_ =	shalt  }
0x41: {  	_ =	shalt  }
0x42: {  	_ =	shalt  }
0x43: {  	_ =	shalt  }
0x44: {  	_ =	shalt  }
0x45: {  	_ =	shalt  }
0x46: {  	_ =	shalt  }
0x47: {  	_ =	shalt  }
0x48: {  	_ =	shalt  }
0x49: {  	_ =	shalt  }
0x4a: {  	_ =	shalt  }
0x4b: {  	_ =	shalt  }
0x4c: {  	_ =	shalt  }
0x4d: {  	_ =	shalt  }
0x4e: {  	_ =	shalt  }
0x4f: {  	_ =	shalt  }
0x50: {  	_ =	shalt  }
0x51: {  	_ =	shalt  }
0x52: {  	_ =	shalt  }
0x53: {  	_ =	shalt  }
0x54: {  	_ =	shalt  }
0x55: {  	_ =	shalt  }
0x56: {  	_ =	shalt  }
0x57: {  	_ =	shalt  }
0x58: {  	_ =	shalt  }
0x59: {  	_ =	shalt  }
0x5a: {  	_ =	shalt  }
0x5b: {  	_ =	shalt  }
0x5c: {  	_ =	shalt  }
0x5d: {  	_ =	shalt  }
0x5e: {  	_ =	shalt  }
0x5f: {  	_ =	shalt  }
0x60: {  	_ =	shalt  }
0x61: {  	_ =	shalt  }
0x62: {  	_ =	shalt  }
0x63: {  	_ =	shalt  }
0x64: {  	_ =	shalt  }
0x65: {  	_ =	shalt  }
0x66: {  	_ =	shalt  }
0x67: {  	_ =	shalt  }
0x68: {  	_ =	shalt  }
0x69: {  	_ =	shalt  }
0x6a: {  	_ =	shalt  }
0x6b: {  	_ =	shalt  }
0x6c: {  	_ =	shalt  }
0x6d: {  	_ =	shalt  }
0x6e: {  	_ =	shalt  }
0x6f: {  	_ =	shalt  }
0x70: {  	_ =	shalt  }
0x71: {  	_ =	shalt  }
0x72: {  	_ =	shalt  }
0x73: {  	_ =	shalt  }
0x74: {  	_ =	shalt  }
0x75: {  	_ =	shalt  }
0x76: {  	_ =	shalt  }
0x77: {  	_ =	shalt  }
0x78: {  	_ =	shalt  }
0x79: {  	_ =	shalt  }
0x7a: {  	_ =	shalt  }
0x7b: {  	_ =	shalt  }
0x7c: {  	_ =	shalt  }
0x7d: {  	_ =	shalt  }
0x7e: {  	_ =	shalt  }
0x7f: {  	_ =	shalt  }
0x80: {  	_ =	shalt  }
0x81: {  	_ =	shalt  }
0x82: {  	_ =	shalt  }
0x83: {  	_ =	shalt  }
0x84: {  	_ =	shalt  }
0x85: {  	_ =	shalt  }
0x86: {  	_ =	shalt  }
0x87: {  	_ =	shalt  }
.Lfunc_end0:
.L_simem_size_0:
called_computation_lowered:
.L_overlay_start_0:
0x88: {  	s2 =	sld [smem:$0x3FD9]  }
0x89: {  	s3 =	sld [smem:$0x3FFE];
	_ =	sdelay $0x1  }
0x8a: {  	s1 =	srdreg.scid  }
0x8b: {  	s0 =	sand.u32 $0x1, s1  }
0x8c: {  	s17 =	sshll.u32 s0, $0xA;
	s2 =	sadd.s32 s3, s2  }
0x8d: {  	s2 =	sadd.s32 s2, s17  }
0x8e: {  	[smem:$0x3FC6] =	sst s2  }
0x8f: {  	_ = 	snop  }
0x90: {  	s2 =	sld [smem:$0x3FD0];
	(tm) =	ssettm $0x1  }
0x91: {  	s18 =	sld [smem:$0x3FFB];
	_ =	sdelay $0x3  }
0x92: {  	_ =	strace s18  }
0x93: {  	s3 =	sld [smem:$0x3FFC];
	_ =	sdelay $0x3  }
0x94: {  	_ =	strace s3  }
0x95: {  	s3 =	sld [smem:$0x3FFD];
	_ =	sdelay $0x3  }
0x96: {  	_ =	strace s3  }
0x97: {  	_ =	strace $0x8FFFFFFF  }
0x98: {  	s19 =	sld [smem:$0x3FDB];
	_ =	sdelay $0x1  }
0x99: {  	s4 =	simm.s32 $_scs_section_size  }
0x9a: {  	s5 =	simm.s32 $_size__tile_overlayer_lowered;
	s6 =	simm.s32 $_tile_overlayer_lowered  }
0x9b: {  	s22 =	simm.s32 $0x1BFF;
	s21 =	sshll.u32 s6, $0x1;
	s3 =	sadd.s32 s4, s19  }
0x9c: {  	s7 =	simm.s32 $0x0;
	s20 =	sshll.u32 s5, $0x1;
	s5 =	sadd.s32 s21, s3  }
0x9d: {  	[timem:s7], [sflag:s22] =	dma.local [hbm:s5], s20  }
0x9e: {  	_ =	swait.ge [sflag:s22], s20  }
0x9f: {  	s4 =	ssub.s32 $0x0, s20;
	[sflag:s22] =	ssyncset.done $0x0  }
0xa0: {  	[sflag:s22] =	ssyncadd.s32 s4;
	_ =	sdelay $0x1  }
0xa1: {  	s23 =	simm.s32 $0x1B8B  }
0xa2: {  	_ =	swait.ge [sflag:s23], $0x1  }
0xa3: {  	[sflag:s23] =	ssyncset.done $0x0  }
0xa4: {  	s25 =	simm.s32 $0x1B8E;
	s24 =	sld [smem:$0x3FFE];
	[sflag:s23] =	ssyncadd.s32 $0xFFFFFFFF  }
0xa5: {  	s26 =	simm.s32 $execute0_lowered;
	[smem:$0x3FD2] =	sst s25  }
0xa6: {  	s5 =	sshll.u32 s26, $0x1;
	_ =	strace $0x80000046;
	[dreg:$0x1] =	wrdreg $0xFFFFFFFF  }
0xa7: {  	s28 =	simm.s32 $_size_execute0_lowered;
	s3 =	sadd.s32 s3, s5;
	[dreg:$0x0] =	wrdreg $0x0  }
0xa8: {  	s5 =	sshll.u32 s28, $0x1;
	[dreg:$0x2] =	wrdreg s3  }
0xa9: {  	[dreg:$0x3] =	wrdreg s5  }
0xaa: {  	[dreg:$0x4] =	wrdreg $0xC0  }
0xab: {  	_ =	task [dreg:s7], $0x5FFFF  }
0xac: {  	[dreg:$0x1] =	wrdreg $0xFFFFFFFF  }
0xad: {  	[dreg:$0x0] =	wrdreg $0x60  }
0xae: {  	[dreg:$0x2] =	wrdreg s2  }
0xaf: {  	[dreg:$0x3] =	wrdreg s24  }
0xb0: {  	[dreg:$0x4] =	wrdreg $0x9  }
0xb1: {  	_ =	task.clear_ibuf [dreg:s7], $0x5FFFF;
	_ =	strace $0x90000046  }
0xb2: {  	s29 =	simm.s32 $0x9;
	_ =	strace $0x80000048  }
0xb3: {  	_ =	swait.ge [sflag:s29], $0x1  }
0xb4: {  	[sflag:s29] =	ssyncadd.s32 $0xFFFFFFFF  }
0xb5: {  	_ =	strace $0x90000048  }
0xb6: {  	_ =	sfence  }
0xb7: {  	s30 =	sld [smem:$0x0];
	_ =	sdelay $0x2  }
0xb8: {  	s31 =	sshll.u32 s1, $0xD;
	s1 =	sshrl.u32 s1, $0x2  }
0xb9: {  	s3 =	sand.u32 $0x4000, s31;
	s1 =	sadd.s32 s1, s30  }
0xba: {  	s0 =	sor.u32 s3, s0;
	s1 =	sshll.u32 s1, $0x11  }
0xbb: {  	s0 =	sor.u32 s1, s0  }
0xbc: {  	s0 =	sadd.s32 $0x8F2B, s0  }
0xbd: {  	[sflag:s0] =	ssyncadd.remote.s32 $0x1  }
0xbe: {  	_ =	sfence.sel $0xFFFF  }
0xbf: {  	[dreg:$0x0] =	wrdreg $0xFFFFFFFF;
	(pc) =	sbr.abs _section_cstart, $3  }
0xc0: {  	[dreg:$0x1] =	wrdreg $0xFFFFFFFF  }
0xc1: {  	_ =	task.clear_ibuf [dreg:s7], $0x2FFFF;
	_ =	strace $0x9FFFFFFF  }
0xc2: {  	(tm) =	ssettm $0x7FFFFFFF  }
0xc3: {  	_ =	shalt  }
tec
execute0_lowered:
.L_overlay_start_1:
0x0: {  	(tag) =	ssettag $0x1  }
0x1: {  	s0 =	rddreg [dreg:$0x0]  }
0x2: {  	s1 =	rddreg [dreg:$0x1];
	s2 =	simm.s32 $0x0  }
0x3: {  	s4 =	stileid.u32;
	s26 =	srdreg.scid;
	s10 =	simm.s32 $0x800  }
0x4: {  	s13 =	simm.s32 $0xA00;
	s14 =	simm.s32 $0xC00;
	s8 =	simm.s32 $0x1000  }
0x5: {  	s15 =	simm.s32 $0x1200;
	s22 =	simm.s32 $0x1400;
	s23 =	simm.s32 $0x1600  }
0x6: {  	s24 =	simm.s32 $0x1800;
	s25 =	simm.s32 $0x1A00;
	s9 =	simm.s32 $0x1C00  }
0x7: {  	s7 =	simm.s32 $0x1E00;
	[smem:$0x7FF] =	sst s2;
	s2 =	sand.u32 $0x1, s26  }
0x8: {  	s3 =	sshll.u32 s4, $0x1;
	s5 =	sadd.s32 $0x800, s1;
	s4 =	sshll.u32 s4, $0xE  }
0x9: {  	_ =	strace $0x80000047;
	[dreg:$0xc] =	wrdreg s5;
	s3 =	sor.u32 s2, s3  }
0xa: {  	s4 =	sand.u32 $0x30000, s4;
	s2 =	ssub.s32 $0x2, s2;
	s28 =	sshll.u32 s3, $0xB  }
0xb: {  	s1 =	sadd.s32 s4, s1;
	s29 =	sshrl.u32 s2, $0x1;
	s3 =	sshll.u32 s3, $0x8  }
0xc: {  	s5 =	sand.u32 $0x3800, s28;
	s2 =	ssub.s32 s2, s29;
	s0 =	sadd.s32 s0, s3  }
0xd: {  	s1 =	sadd.s32 s5, s1;
	[dreg:$0xd] =	wrdreg s0;
	s31 =	smax.u32 s2, $0x1  }
0xe: {  	s6 =	simm.s32 $0x2000;
	s30 =	sadd.s32 $0x1000, s1;
	[dreg:$0xf] =	wrdreg s31  }
0xf: {  	s2 =	simm.s32 $0x0;
	s1 =	simm.s32 $0x1;
	[dreg:$0xe] =	wrdreg s30  }
.LBB2_1:
0x10: {  	[dreg:$0x10] =	wrdreg s2  }
0x11: {  	s3 =	simm.s32 $0x0;
	s0 =	rddreg [dreg:$0xd]  }
0x12: {  	[tilespmem:s3], [sflag:$0x1] =	stream.linear.gather [hbm4b:s0+s3], $0x800, $0x38;
	[tilespmem:$0x14800] =	vst v63  }
0x13: {  	_ =	swait.ge [sflag:s1], $0x800  }
0x14: {  	[sflag:s1] =	ssyncset.done $0x0  }
0x15: {  	s26 =	rddreg [dreg:$0xc];
	[sflag:s1] =	ssyncadd.s32 $0xFFFFF800  }
0x16: {  	[tilespmem:s10], [sflag:$0x1] =	stream.linear.gather [hbm4b:s26+s3], $0x4000, $0x38;
	[tilespmem:$0x14800] =	vst v63  }
0x17: {  	s17 =	sand.u32 $0x40, s3;
	_ =	swait.ge [sflag:s1], $0x4000  }
0x18: {  	s30 =	sand.u32 $0x780, s3;
	s19 =	sor.u32 $0x30, s17;
	[sflag:s1] =	ssyncset.done $0x0  }
0x19: {  	s18 =	sor.u32 $0x10, s17;
	s4 =	sor.u32 s19, s30;
	[sflag:s1] =	ssyncadd.s32 $0xFFFFC000  }
0x1a: {  	s20 =	sor.u32 $0x20, s17;
	s5 =	sor.u32 s18, s30;
	v7 =	vld [tilespmem:s4+$0x0]  }
0x1b: {  	s0 =	sor.u32 s20, s30;
	v2 =	vld [tilespmem:s5+$0x0]  }
0x1c: {  	v1 =	vld [tilespmem:s0+$0x0];
	_ =	sdelay $0x1  }
0x1d: {  	v0 =	vld [tilespmem:s3+$0x0];
	_ =	sdelay $0x3  }
0x1e: {  	v3 =	vld.idx.msk [tilespmem:v7+s10+$0x0], $0xffff  }
0x1f: {  	v4 =	vld.idx.msk [tilespmem:v2+s10+$0x0], $0xffff  }
0x20: {  	s21 =	sand.u32 $0x3C00, s3;
	v5 =	vld.idx.msk [tilespmem:v1+s10+$0x0], $0xffff  }
0x21: {  	s11 =	sadd.s32 $0x4800, s21  }
0x22: {  	s12 =	sor.u32 s19, s11;
	v6 =	vld.idx.msk [tilespmem:v0+s10+$0x0], $0xffff  }
0x23: {  	s16 =	sor.u32 s18, s11;
	[tilespmem:s12+$0x0] =	vst v3  }
0x24: {  	s26 =	sor.u32 s20, s11;
	[tilespmem:s16+$0x0] =	vst v4;
	v3 =	vld.idx.msk [tilespmem:v7+s13+$0x0], $0xffff  }
0x25: {  	[tilespmem:s26+$0x0] =	vst v5;
	v4 =	vld.idx.msk [tilespmem:v2+s13+$0x0], $0xffff  }
0x26: {  	s0 =	sor.u32 s17, s11;
	v5 =	vld.idx.msk [tilespmem:v1+s13+$0x0], $0xffff  }
0x27: {  	[tilespmem:s0+$0x0] =	vst v6  }
0x28: {  	v6 =	vld.idx.msk [tilespmem:v0+s13+$0x0], $0xffff  }
0x29: {  	[tilespmem:s12+$0x80] =	vst v3  }
0x2a: {  	[tilespmem:s16+$0x80] =	vst v4;
	v3 =	vld.idx.msk [tilespmem:v7+s14+$0x0], $0xffff  }
0x2b: {  	[tilespmem:s26+$0x80] =	vst v5;
	v4 =	vld.idx.msk [tilespmem:v2+s14+$0x0], $0xffff  }
0x2c: {  	v5 =	vld.idx.msk [tilespmem:v1+s14+$0x0], $0xffff  }
0x2d: {  	[tilespmem:s0+$0x80] =	vst v6  }
0x2e: {  	v6 =	vld.idx.msk [tilespmem:v0+s14+$0x0], $0xffff  }
0x2f: {  	s11 =	simm.s32 $0xE00;
	[tilespmem:s12+$0x100] =	vst v3  }
0x30: {  	[tilespmem:s16+$0x100] =	vst v4;
	v3 =	vld.idx.msk [tilespmem:v7+s11+$0x0], $0xffff  }
0x31: {  	[tilespmem:s26+$0x100] =	vst v5;
	v4 =	vld.idx.msk [tilespmem:v2+s11+$0x0], $0xffff  }
0x32: {  	v5 =	vld.idx.msk [tilespmem:v1+s11+$0x0], $0xffff  }
0x33: {  	[tilespmem:s0+$0x100] =	vst v6  }
0x34: {  	v6 =	vld.idx.msk [tilespmem:v0+s11+$0x0], $0xffff  }
0x35: {  	p0 =	por $0x0, $0x0;
	s1 =	simm.s32 $0x1;
	[tilespmem:s12+$0x180] =	vst v3  }
0x36: {  	s1 =	simm.s32 @!p0 $0x0;
	[tilespmem:s16+$0x180] =	vst v4;
	v3 =	vld.idx.msk [tilespmem:v7+s8+$0x0], $0xffff  }
0x37: {  	s1 =	sshll.u32 s1, $0x6;
	[tilespmem:s26+$0x180] =	vst v5;
	v4 =	vld.idx.msk [tilespmem:v2+s8+$0x0], $0xffff  }
0x38: {  	s1 =	sadd.s32 $0x0, s1;
	v5 =	vld.idx.msk [tilespmem:v1+s8+$0x0], $0xffff  }
0x39: {  	[tilespmem:s0+$0x180] =	vst v6;
	s0 =	sadd.s32 $0x30, s1  }
0x3a: {  	s2 =	sadd.s32 $0x10, s1;
	s30 =	sor.u32 $0x200, s0  }
0x3b: {  	s4 =	sadd.s32 $0x20, s1;
	s5 =	sor.u32 $0x200, s2;
	v6 =	vld.idx.msk [tilespmem:v0+s8+$0x0], $0xffff;
	[tilespmem:s30+$0x4800] =	vst v3  }
0x3c: {  	s12 =	sor.u32 $0x200, s4;
	[tilespmem:s5+$0x4800] =	vst v4;
	v3 =	vld.idx.msk [tilespmem:v7+s15+$0x0], $0xffff  }
0x3d: {  	[tilespmem:s12+$0x4800] =	vst v5;
	v4 =	vld.idx.msk [tilespmem:v2+s15+$0x0], $0xffff  }
0x3e: {  	v5 =	vld.idx.msk [tilespmem:v1+s15+$0x0], $0xffff  }
0x3f: {  	s16 =	sor.u32 $0x200, s1  }
0x40: {  	s26 =	sor.u32 $0x280, s0;
	[tilespmem:s16+$0x4800] =	vst v6  }
0x41: {  	s30 =	sor.u32 $0x280, s2;
	v6 =	vld.idx.msk [tilespmem:v0+s15+$0x0], $0xffff;
	[tilespmem:s26+$0x4800] =	vst v3  }
0x42: {  	s12 =	sor.u32 $0x280, s4;
	[tilespmem:s30+$0x4800] =	vst v4;
	v3 =	vld.idx.msk [tilespmem:v7+s22+$0x0], $0xffff  }
0x43: {  	[tilespmem:s12+$0x4800] =	vst v5;
	v4 =	vld.idx.msk [tilespmem:v2+s22+$0x0], $0xffff  }
0x44: {  	v5 =	vld.idx.msk [tilespmem:v1+s22+$0x0], $0xffff  }
0x45: {  	s16 =	sor.u32 $0x280, s1  }
0x46: {  	[tilespmem:s16+$0x4800] =	vst v6;
	s26 =	sor.u32 $0x300, s0  }
0x47: {  	s30 =	sor.u32 $0x300, s2;
	v6 =	vld.idx.msk [tilespmem:v0+s22+$0x0], $0xffff;
	[tilespmem:s26+$0x4800] =	vst v3  }
0x48: {  	s12 =	sor.u32 $0x300, s4;
	[tilespmem:s30+$0x4800] =	vst v4;
	v3 =	vld.idx.msk [tilespmem:v7+s23+$0x0], $0xffff  }
0x49: {  	[tilespmem:s12+$0x4800] =	vst v5;
	v4 =	vld.idx.msk [tilespmem:v2+s23+$0x0], $0xffff  }
0x4a: {  	v5 =	vld.idx.msk [tilespmem:v1+s23+$0x0], $0xffff  }
0x4b: {  	s16 =	sor.u32 $0x300, s1  }
0x4c: {  	s0 =	sor.u32 $0x380, s0;
	[tilespmem:s16+$0x4800] =	vst v6  }
0x4d: {  	s2 =	sor.u32 $0x380, s2;
	v6 =	vld.idx.msk [tilespmem:v0+s23+$0x0], $0xffff;
	[tilespmem:s0+$0x4800] =	vst v3  }
0x4e: {  	s26 =	sor.u32 $0x380, s4;
	[tilespmem:s2+$0x4800] =	vst v4;
	v3 =	vld.idx.msk [tilespmem:v7+s24+$0x0], $0xffff  }
0x4f: {  	[tilespmem:s26+$0x4800] =	vst v5;
	v4 =	vld.idx.msk [tilespmem:v2+s24+$0x0], $0xffff  }
0x50: {  	v5 =	vld.idx.msk [tilespmem:v1+s24+$0x0], $0xffff  }
0x51: {  	s1 =	sor.u32 $0x380, s1;
	s30 =	sadd.s32 $0x8800, s21  }
0x52: {  	s3 =	sor.u32 s19, s30;
	[tilespmem:s1+$0x4800] =	vst v6  }
0x53: {  	s4 =	sor.u32 s18, s30;
	v6 =	vld.idx.msk [tilespmem:v0+s24+$0x0], $0xffff;
	[tilespmem:s3+$0x0] =	vst v3  }
0x54: {  	s5 =	sor.u32 s20, s30;
	[tilespmem:s4+$0x0] =	vst v4;
	v3 =	vld.idx.msk [tilespmem:v7+s25+$0x0], $0xffff  }
0x55: {  	[tilespmem:s5+$0x0] =	vst v5;
	v4 =	vld.idx.msk [tilespmem:v2+s25+$0x0], $0xffff  }
0x56: {  	v5 =	vld.idx.msk [tilespmem:v1+s25+$0x0], $0xffff  }
0x57: {  	s12 =	sadd.s32 $0x8880, s21;
	s0 =	sor.u32 s17, s30  }
0x58: {  	s16 =	sor.u32 s19, s12;
	[tilespmem:s0+$0x0] =	vst v6  }
0x59: {  	s26 =	sor.u32 s18, s12;
	v6 =	vld.idx.msk [tilespmem:v0+s25+$0x0], $0xffff;
	[tilespmem:s16+$0x0] =	vst v3  }
0x5a: {  	s30 =	sor.u32 s20, s12;
	[tilespmem:s26+$0x0] =	vst v4;
	v3 =	vld.idx.msk [tilespmem:v7+s9+$0x0], $0xffff  }
0x5b: {  	[tilespmem:s30+$0x0] =	vst v5;
	v4 =	vld.idx.msk [tilespmem:v2+s9+$0x0], $0xffff  }
0x5c: {  	v5 =	vld.idx.msk [tilespmem:v1+s9+$0x0], $0xffff  }
0x5d: {  	s0 =	sor.u32 s17, s12;
	s3 =	sadd.s32 $0x8900, s21  }
0x5e: {  	s4 =	sor.u32 s19, s3;
	[tilespmem:s0+$0x0] =	vst v6  }
0x5f: {  	s5 =	sor.u32 s18, s3;
	v6 =	vld.idx.msk [tilespmem:v0+s9+$0x0], $0xffff;
	[tilespmem:s4+$0x0] =	vst v3  }
0x60: {  	s9 =	sor.u32 s20, s3;
	[tilespmem:s5+$0x0] =	vst v4;
	v3 =	vld.idx.msk [tilespmem:v7+s7+$0x0], $0xffff  }
0x61: {  	[tilespmem:s9+$0x0] =	vst v5;
	v4 =	vld.idx.msk [tilespmem:v2+s7+$0x0], $0xffff  }
0x62: {  	v5 =	vld.idx.msk [tilespmem:v1+s7+$0x0], $0xffff  }
0x63: {  	s12 =	sadd.s32 $0x8980, s21;
	s0 =	sor.u32 s17, s3  }
0x64: {  	s16 =	sor.u32 s19, s12;
	[tilespmem:s0+$0x0] =	vst v6  }
0x65: {  	s26 =	sor.u32 s18, s12;
	v6 =	vld.idx.msk [tilespmem:v0+s7+$0x0], $0xffff;
	[tilespmem:s16+$0x0] =	vst v3  }
0x66: {  	s30 =	sor.u32 s20, s12;
	[tilespmem:s26+$0x0] =	vst v4;
	v3 =	vld.idx.msk [tilespmem:v7+s6+$0x0], $0xffff  }
0x67: {  	[tilespmem:s30+$0x0] =	vst v5;
	v4 =	vld.idx.msk [tilespmem:v2+s6+$0x0], $0xffff  }
0x68: {  	v5 =	vld.idx.msk [tilespmem:v1+s6+$0x0], $0xffff  }
0x69: {  	s3 =	sadd.s32 $0x8A00, s21;
	s0 =	sor.u32 s17, s12  }
0x6a: {  	s4 =	sor.u32 s19, s3;
	[tilespmem:s0+$0x0] =	vst v6  }
0x6b: {  	s5 =	sor.u32 s18, s3;
	s7 =	simm.s32 $0x2200;
	v6 =	vld.idx.msk [tilespmem:v0+s6+$0x0], $0xffff;
	[tilespmem:s4+$0x0] =	vst v3  }
0x6c: {  	s6 =	sor.u32 s20, s3;
	[tilespmem:s5+$0x0] =	vst v4;
	v3 =	vld.idx.msk [tilespmem:v7+s7+$0x0], $0xffff  }
0x6d: {  	[tilespmem:s6+$0x0] =	vst v5;
	v4 =	vld.idx.msk [tilespmem:v2+s7+$0x0], $0xffff  }
0x6e: {  	v5 =	vld.idx.msk [tilespmem:v1+s7+$0x0], $0xffff  }
0x6f: {  	s9 =	sadd.s32 $0x8A80, s21;
	s0 =	sor.u32 s17, s3  }
0x70: {  	s12 =	sor.u32 s19, s9;
	[tilespmem:s0+$0x0] =	vst v6  }
0x71: {  	s16 =	sor.u32 s18, s9;
	s30 =	simm.s32 $0x2400;
	v6 =	vld.idx.msk [tilespmem:v0+s7+$0x0], $0xffff;
	[tilespmem:s12+$0x0] =	vst v3  }
0x72: {  	s26 =	sor.u32 s20, s9;
	[tilespmem:s16+$0x0] =	vst v4;
	v3 =	vld.idx.msk [tilespmem:v7+s30+$0x0], $0xffff  }
0x73: {  	[tilespmem:s26+$0x0] =	vst v5;
	v4 =	vld.idx.msk [tilespmem:v2+s30+$0x0], $0xffff  }
0x74: {  	v5 =	vld.idx.msk [tilespmem:v1+s30+$0x0], $0xffff  }
0x75: {  	s3 =	sadd.s32 $0x8B00, s21;
	s0 =	sor.u32 s17, s9  }
0x76: {  	s4 =	sor.u32 s19, s3;
	[tilespmem:s0+$0x0] =	vst v6  }
0x77: {  	s5 =	sor.u32 s18, s3;
	s7 =	simm.s32 $0x2600;
	v6 =	vld.idx.msk [tilespmem:v0+s30+$0x0], $0xffff;
	[tilespmem:s4+$0x0] =	vst v3  }
0x78: {  	s6 =	sor.u32 s20, s3;
	[tilespmem:s5+$0x0] =	vst v4;
	v3 =	vld.idx.msk [tilespmem:v7+s7+$0x0], $0xffff  }
0x79: {  	[tilespmem:s6+$0x0] =	vst v5;
	v4 =	vld.idx.msk [tilespmem:v2+s7+$0x0], $0xffff  }
0x7a: {  	v5 =	vld.idx.msk [tilespmem:v1+s7+$0x0], $0xffff  }
0x7b: {  	s9 =	sadd.s32 $0x8B80, s21;
	s0 =	sor.u32 s17, s3  }
0x7c: {  	s12 =	sor.u32 s19, s9;
	[tilespmem:s0+$0x0] =	vst v6  }
0x7d: {  	s16 =	sor.u32 s18, s9;
	s30 =	simm.s32 $0x2800;
	v6 =	vld.idx.msk [tilespmem:v0+s7+$0x0], $0xffff;
	[tilespmem:s12+$0x0] =	vst v3  }
0x7e: {  	s26 =	sor.u32 s20, s9;
	[tilespmem:s16+$0x0] =	vst v4;
	v8 =	vld.idx.msk [tilespmem:v7+s30+$0x0], $0xffff  }
0x7f: {  	[tilespmem:s26+$0x0] =	vst v5;
	v4 =	vld.idx.msk [tilespmem:v2+s30+$0x0], $0xffff  }
0x80: {  	v5 =	vld.idx.msk [tilespmem:v1+s30+$0x0], $0xffff  }
0x81: {  	s0 =	sor.u32 s17, s9;
	s4 =	sadd.s32 $0xC800, s21  }
0x82: {  	s6 =	sor.u32 s19, s4;
	[tilespmem:s0+$0x0] =	vst v6  }
0x83: {  	s5 =	simm.s32 $0x40;
	s7 =	sor.u32 s18, s4;
	v6 =	vld.idx.msk [tilespmem:v0+s30+$0x0], $0xffff;
	[tilespmem:s6+$0x0] =	vst v8  }
0x84: {  	s9 =	sor.u32 s20, s4;
	v3 =	vld [tilespmem:s5+$0x0];
	s12 =	simm.s32 $0x2A00;
	[tilespmem:s7+$0x0] =	vst v4  }
0x85: {  	s16 =	sand.u32 $0x40, s5;
	s26 =	simm.s32 $0x40;
	[tilespmem:s9+$0x0] =	vst v5;
	v8 =	vld.idx.msk [tilespmem:v7+s12+$0x0], $0xffff  }
0x86: {  	s30 =	sand.u32 $0x780, s5;
	s31 =	sor.u32 $0x30, s16;
	v9 =	vld.idx.msk [tilespmem:v2+s12+$0x0], $0xffff;
	[dreg:$0x3] =	wrdreg s26  }
0x87: {  	s0 =	sor.u32 s17, s4;
	s2 =	sor.u32 s31, s30;
	v10 =	vld.idx.msk [tilespmem:v1+s12+$0x0], $0xffff  }
0x88: {  	s26 =	sor.u32 $0x10, s16;
	[tilespmem:s0+$0x0] =	vst v6;
	v4 =	vld [tilespmem:s2+$0x0]  }
0x89: {  	s4 =	sadd.s32 $0xC880, s21;
	s28 =	sor.u32 $0x20, s16;
	s5 =	sor.u32 s26, s30;
	v11 =	vld.idx.msk [tilespmem:v0+s12+$0x0], $0xffff  }
0x8a: {  	s6 =	sor.u32 s19, s4;
	s7 =	sor.u32 s28, s30;
	v5 =	vld [tilespmem:s5+$0x0]  }
0x8b: {  	s9 =	sor.u32 s18, s4;
	v6 =	vld [tilespmem:s7+$0x0];
	s12 =	simm.s32 $0x2C00;
	[tilespmem:s6+$0x0] =	vst v8  }
0x8c: {  	[tilespmem:s9+$0x0] =	vst v9;
	v8 =	vld.idx.msk [tilespmem:v7+s12+$0x0], $0xffff  }
0x8d: {  	s30 =	sor.u32 s20, s4;
	v9 =	vld.idx.msk [tilespmem:v2+s12+$0x0], $0xffff  }
0x8e: {  	s1 =	sor.u32 s17, s4;
	v12 =	vld.idx.msk [tilespmem:v3+s10+$0x0], $0xffff;
	[tilespmem:s30+$0x0] =	vst v10  }
0x8f: {  	s2 =	sadd.s32 $0xC900, s21;
	[tilespmem:s1+$0x0] =	vst v11;
	v10 =	vld.idx.msk [tilespmem:v1+s12+$0x0], $0xffff  }
0x90: {  	s4 =	sor.u32 s19, s2;
	v11 =	vld.idx.msk [tilespmem:v0+s12+$0x0], $0xffff  }
0x91: {  	s5 =	sor.u32 s18, s2;
	v13 =	vld.idx.msk [tilespmem:v4+s10+$0x0], $0xffff;
	[tilespmem:s4+$0x0] =	vst v8  }
0x92: {  	s6 =	simm.s32 $0x200;
	s12 =	simm.s32 $0x200;
	v14 =	vld.idx.msk [tilespmem:v5+s10+$0x0], $0xffff;
	s4 =	simm.s32 $0x2E00;
	[tilespmem:s5+$0x0] =	vst v9  }
0x93: {  	s7 =	sor.u32 s20, s2;
	s9 =	sand.u32 $0x3C00, s6;
	v8 =	vld.idx.msk [tilespmem:v7+s4+$0x0], $0xffff;
	[dreg:$0x4] =	wrdreg s12  }
0x94: {  	s0 =	sor.u32 s17, s2;
	s30 =	sadd.s32 $0x4800, s9;
	v9 =	vld.idx.msk [tilespmem:v6+s10+$0x0], $0xffff;
	[tilespmem:s7+$0x0] =	vst v10  }
0x95: {  	s1 =	sor.u32 s16, s30;
	v10 =	vld.idx.msk [tilespmem:v2+s4+$0x0], $0xffff;
	[tilespmem:s0+$0x0] =	vst v11  }
0x96: {  	s3 =	sor.u32 s31, s30;
	[tilespmem:s1+$0x0] =	vst v12;
	v11 =	vld.idx.msk [tilespmem:v1+s4+$0x0], $0xffff  }
0x97: {  	s0 =	sadd.s32 $0xC980, s21;
	[tilespmem:s3+$0x0] =	vst v13;
	v13 =	vld.idx.msk [tilespmem:v0+s4+$0x0], $0xffff;
	s4 =	sor.u32 s26, s30  }
0x98: {  	s5 =	sor.u32 s19, s0;
	v12 =	vld.idx.msk [tilespmem:v3+s13+$0x0], $0xffff;
	[tilespmem:s4+$0x0] =	vst v14  }
0x99: {  	s2 =	sor.u32 s28, s30;
	v15 =	vld.idx.msk [tilespmem:v4+s13+$0x0], $0xffff;
	[tilespmem:s5+$0x0] =	vst v8  }
0x9a: {  	s7 =	simm.s32 $0x3000;
	s6 =	sor.u32 s18, s0;
	v14 =	vld.idx.msk [tilespmem:v5+s13+$0x0], $0xffff;
	[tilespmem:s2+$0x0] =	vst v9  }
0x9b: {  	s12 =	sor.u32 s20, s0;
	v8 =	vld.idx.msk [tilespmem:v7+s7+$0x0], $0xffff;
	[tilespmem:s6+$0x0] =	vst v10  }
0x9c: {  	v9 =	vld.idx.msk [tilespmem:v6+s13+$0x0], $0xffff;
	[tilespmem:s12+$0x0] =	vst v11  }
0x9d: {  	s0 =	sor.u32 s17, s0;
	v10 =	vld.idx.msk [tilespmem:v2+s7+$0x0], $0xffff;
	[tilespmem:s1+$0x80] =	vst v12  }
0x9e: {  	[tilespmem:s0+$0x0] =	vst v13;
	v11 =	vld.idx.msk [tilespmem:v1+s7+$0x0], $0xffff  }
0x9f: {  	s5 =	sadd.s32 $0xCA00, s21;
	[tilespmem:s3+$0x80] =	vst v15;
	v12 =	vld.idx.msk [tilespmem:v3+s14+$0x0], $0xffff  }
0xa0: {  	s30 =	sor.u32 s19, s5;
	v13 =	vld.idx.msk [tilespmem:v0+s7+$0x0], $0xffff;
	[tilespmem:s4+$0x80] =	vst v14  }
0xa1: {  	v15 =	vld.idx.msk [tilespmem:v4+s14+$0x0], $0xffff;
	[tilespmem:s30+$0x0] =	vst v8  }
0xa2: {  	s29 =	simm.s32 $0x3200;
	s12 =	sor.u32 s18, s5;
	v14 =	vld.idx.msk [tilespmem:v5+s14+$0x0], $0xffff;
	[tilespmem:s2+$0x80] =	vst v9  }
0xa3: {  	v8 =	vld.idx.msk [tilespmem:v7+s29+$0x0], $0xffff;
	[tilespmem:s12+$0x0] =	vst v10  }
0xa4: {  	s6 =	sor.u32 s20, s5;
	v9 =	vld.idx.msk [tilespmem:v6+s14+$0x0], $0xffff;
	[tilespmem:s1+$0x100] =	vst v12  }
0xa5: {  	s5 =	sor.u32 s17, s5;
	v10 =	vld.idx.msk [tilespmem:v2+s29+$0x0], $0xffff;
	[tilespmem:s6+$0x0] =	vst v11  }
0xa6: {  	[tilespmem:s5+$0x0] =	vst v13;
	v12 =	vld.idx.msk [tilespmem:v3+s11+$0x0], $0xffff  }
0xa7: {  	s7 =	sadd.s32 $0xCA80, s21;
	[tilespmem:s3+$0x100] =	vst v15;
	v11 =	vld.idx.msk [tilespmem:v1+s29+$0x0], $0xffff  }
0xa8: {  	s30 =	sor.u32 s19, s7;
	v15 =	vld.idx.msk [tilespmem:v4+s11+$0x0], $0xffff;
	[tilespmem:s4+$0x100] =	vst v14  }
0xa9: {  	v14 =	vld.idx.msk [tilespmem:v5+s11+$0x0], $0xffff;
	[tilespmem:s30+$0x0] =	vst v8;
	s30 =	simm.s32 $0x3400  }
0xaa: {  	s5 =	sor.u32 s18, s7;
	v8 =	vld.idx.msk [tilespmem:v7+s30+$0x0], $0xffff;
	[tilespmem:s2+$0x100] =	vst v9  }
0xab: {  	[tilespmem:s5+$0x0] =	vst v10;
	v9 =	vld.idx.msk [tilespmem:v6+s11+$0x0], $0xffff  }
0xac: {  	v13 =	vld.idx.msk [tilespmem:v0+s29+$0x0], $0xffff;
	[tilespmem:s1+$0x180] =	vst v12  }
0xad: {  	p0 =	por !p0, !p0;
	s0 =	sadd.s32 $0xCB00, s21;
	v10 =	vld.idx.msk [tilespmem:v2+s30+$0x0], $0xffff;
	[tilespmem:s3+$0x180] =	vst v15;
	s3 =	simm.s32 $0x1  }
0xae: {  	s12 =	sor.u32 s19, s0;
	v15 =	vld.idx.msk [tilespmem:v4+s8+$0x0], $0xffff;
	s3 =	simm.s32 @!p0 $0x0;
	[tilespmem:s4+$0x180] =	vst v14  }
0xaf: {  	s11 =	simm.s32 $0x3600;
	s3 =	sshll.u32 s3, $0x6;
	v14 =	vld.idx.msk [tilespmem:v5+s8+$0x0], $0xffff;
	[tilespmem:s12+$0x0] =	vst v8  }
0xb0: {  	s6 =	sor.u32 s20, s7;
	v8 =	vld.idx.msk [tilespmem:v7+s11+$0x0], $0xffff;
	[tilespmem:s2+$0x180] =	vst v9;
	s2 =	sadd.s32 $0x200, s3  }
0xb1: {  	s7 =	sor.u32 s17, s7;
	[tilespmem:s6+$0x0] =	vst v11;
	v9 =	vld.idx.msk [tilespmem:v6+s8+$0x0], $0xffff;
	s1 =	sadd.s32 $0x30, s2  }
0xb2: {  	[tilespmem:s7+$0x0] =	vst v13;
	v12 =	vld.idx.msk [tilespmem:v3+s8+$0x0], $0xffff;
	s5 =	sadd.s32 $0x10, s2;
	s12 =	sor.u32 $0x200, s1  }
0xb3: {  	v11 =	vld.idx.msk [tilespmem:v1+s30+$0x0], $0xffff;
	s4 =	sadd.s32 $0xCB80, s21;
	[tilespmem:s12+$0x4800] =	vst v15;
	s12 =	sor.u32 $0x200, s5  }
0xb4: {  	s8 =	sor.u32 s19, s4;
	s6 =	sadd.s32 $0x20, s2;
	v15 =	vld.idx.msk [tilespmem:v4+s15+$0x0], $0xffff;
	[tilespmem:s12+$0x4800] =	vst v14  }
0xb5: {  	s3 =	sor.u32 $0x200, s6;
	s12 =	simm.s32 $0x3800;
	[tilespmem:s8+$0x0] =	vst v8;
	v14 =	vld.idx.msk [tilespmem:v5+s15+$0x0], $0xffff  }
0xb6: {  	s8 =	sor.u32 $0x200, s2;
	v8 =	vld.idx.msk [tilespmem:v7+s12+$0x0], $0xffff;
	[tilespmem:s3+$0x4800] =	vst v9  }
0xb7: {  	[tilespmem:s8+$0x4800] =	vst v12;
	s8 =	sor.u32 s18, s0;
	v9 =	vld.idx.msk [tilespmem:v6+s15+$0x0], $0xffff  }
0xb8: {  	v12 =	vld.idx.msk [tilespmem:v3+s15+$0x0], $0xffff;
	s15 =	sor.u32 $0x280, s1;
	[tilespmem:s8+$0x0] =	vst v10  }
0xb9: {  	v13 =	vld.idx.msk [tilespmem:v0+s30+$0x0], $0xffff;
	s3 =	sadd.s32 $0x10800, s21;
	[tilespmem:s15+$0x4800] =	vst v15;
	s15 =	sor.u32 $0x280, s5  }
0xba: {  	s8 =	sor.u32 s19, s3;
	v10 =	vld.idx.msk [tilespmem:v2+s11+$0x0], $0xffff;
	[tilespmem:s15+$0x4800] =	vst v14  }
0xbb: {  	s30 =	sor.u32 $0x280, s6;
	v15 =	vld.idx.msk [tilespmem:v4+s22+$0x0], $0xffff;
	[tilespmem:s8+$0x0] =	vst v8  }
0xbc: {  	s15 =	simm.s32 $0x3A00;
	s8 =	sor.u32 $0x280, s2;
	v14 =	vld.idx.msk [tilespmem:v5+s22+$0x0], $0xffff;
	[tilespmem:s30+$0x4800] =	vst v9  }
0xbd: {  	v8 =	vld.idx.msk [tilespmem:v7+s15+$0x0], $0xffff;
	s30 =	sor.u32 s20, s0;
	[tilespmem:s8+$0x4800] =	vst v12  }
0xbe: {  	s0 =	sor.u32 s17, s0;
	v9 =	vld.idx.msk [tilespmem:v6+s22+$0x0], $0xffff;
	[tilespmem:s30+$0x0] =	vst v11  }
0xbf: {  	s8 =	sor.u32 $0x300, s1;
	v12 =	vld.idx.msk [tilespmem:v3+s22+$0x0], $0xffff;
	[tilespmem:s0+$0x0] =	vst v13  }
0xc0: {  	s0 =	sadd.s32 $0x10880, s21;
	s22 =	sor.u32 $0x300, s5;
	v11 =	vld.idx.msk [tilespmem:v1+s11+$0x0], $0xffff;
	[tilespmem:s8+$0x4800] =	vst v15  }
0xc1: {  	v13 =	vld.idx.msk [tilespmem:v0+s11+$0x0], $0xffff;
	s11 =	sor.u32 s19, s0;
	[tilespmem:s22+$0x4800] =	vst v14  }
0xc2: {  	s30 =	sor.u32 $0x300, s6;
	v15 =	vld.idx.msk [tilespmem:v4+s23+$0x0], $0xffff;
	[tilespmem:s11+$0x0] =	vst v8  }
0xc3: {  	s22 =	sor.u32 $0x300, s2;
	s11 =	simm.s32 $0x3C00;
	v14 =	vld.idx.msk [tilespmem:v5+s23+$0x0], $0xffff;
	[tilespmem:s30+$0x4800] =	vst v9  }
0xc4: {  	v8 =	vld.idx.msk [tilespmem:v7+s11+$0x0], $0xffff;
	s30 =	sor.u32 s18, s4;
	[tilespmem:s22+$0x4800] =	vst v12  }
0xc5: {  	s22 =	sor.u32 s20, s4;
	v9 =	vld.idx.msk [tilespmem:v6+s23+$0x0], $0xffff;
	[tilespmem:s30+$0x0] =	vst v10  }
0xc6: {  	s4 =	sor.u32 s17, s4;
	v12 =	vld.idx.msk [tilespmem:v3+s23+$0x0], $0xffff;
	[tilespmem:s22+$0x0] =	vst v11  }
0xc7: {  	s23 =	sor.u32 $0x380, s1;
	[tilespmem:s4+$0x0] =	vst v13;
	v10 =	vld.idx.msk [tilespmem:v2+s12+$0x0], $0xffff  }
0xc8: {  	s5 =	sor.u32 $0x380, s5;
	s1 =	sadd.s32 $0x10900, s21;
	v11 =	vld.idx.msk [tilespmem:v1+s12+$0x0], $0xffff;
	[tilespmem:s23+$0x4800] =	vst v15  }
0xc9: {  	s30 =	sor.u32 s19, s1;
	v13 =	vld.idx.msk [tilespmem:v0+s12+$0x0], $0xffff;
	[tilespmem:s5+$0x4800] =	vst v14  }
0xca: {  	s6 =	sor.u32 $0x380, s6;
	v15 =	vld.idx.msk [tilespmem:v4+s24+$0x0], $0xffff;
	[tilespmem:s30+$0x0] =	vst v8  }
0xcb: {  	s2 =	sor.u32 $0x380, s2;
	s30 =	simm.s32 $0x3E00;
	v14 =	vld.idx.msk [tilespmem:v5+s24+$0x0], $0xffff;
	[tilespmem:s6+$0x4800] =	vst v9  }
0xcc: {  	v8 =	vld.idx.msk [tilespmem:v7+s30+$0x0], $0xffff;
	[tilespmem:s2+$0x4800] =	vst v12;
	s6 =	sor.u32 s18, s3  }
0xcd: {  	s7 =	sadd.s32 $0x8800, s9;
	v9 =	vld.idx.msk [tilespmem:v6+s24+$0x0], $0xffff;
	[tilespmem:s6+$0x0] =	vst v10;
	s6 =	sor.u32 s20, s3  }
0xce: {  	s8 =	sor.u32 s31, s7;
	v12 =	vld.idx.msk [tilespmem:v3+s24+$0x0], $0xffff;
	[tilespmem:s6+$0x0] =	vst v11  }
0xcf: {  	s22 =	sor.u32 s26, s7;
	v10 =	vld.idx.msk [tilespmem:v2+s15+$0x0], $0xffff;
	[tilespmem:s8+$0x0] =	vst v15  }
0xd0: {  	s4 =	sadd.s32 $0x10980, s21;
	s3 =	sor.u32 s17, s3;
	v15 =	vld.idx.msk [tilespmem:v4+s25+$0x0], $0xffff;
	[tilespmem:s22+$0x0] =	vst v14  }
0xd1: {  	s12 =	sor.u32 s19, s4;
	[tilespmem:s3+$0x0] =	vst v13;
	v14 =	vld.idx.msk [tilespmem:v5+s25+$0x0], $0xffff  }
0xd2: {  	s23 =	sor.u32 s28, s7;
	s24 =	simm.s32 $0x4000;
	v11 =	vld.idx.msk [tilespmem:v1+s15+$0x0], $0xffff;
	[tilespmem:s12+$0x0] =	vst v8  }
0xd3: {  	s5 =	sor.u32 s16, s7;
	s7 =	sadd.s32 $0x8880, s9;
	v8 =	vld.idx.msk [tilespmem:v7+s24+$0x0], $0xffff;
	[tilespmem:s23+$0x0] =	vst v9  }
0xd4: {  	s12 =	sor.u32 s31, s7;
	[tilespmem:s5+$0x0] =	vst v12;
	v9 =	vld.idx.msk [tilespmem:v6+s25+$0x0], $0xffff  }
0xd5: {  	v13 =	vld.idx.msk [tilespmem:v0+s15+$0x0], $0xffff;
	s23 =	sor.u32 s26, s7;
	[tilespmem:s12+$0x0] =	vst v15  }
0xd6: {  	s3 =	sadd.s32 $0x10A00, s21;
	s24 =	simm.s32 $0x1C00;
	v12 =	vld.idx.msk [tilespmem:v3+s25+$0x0], $0xffff;
	s12 =	sor.u32 s18, s0;
	[tilespmem:s23+$0x0] =	vst v14  }
0xd7: {  	s22 =	sor.u32 s19, s3;
	v15 =	vld.idx.msk [tilespmem:v4+s24+$0x0], $0xffff;
	[tilespmem:s12+$0x0] =	vst v10  }
0xd8: {  	s8 =	simm.s32 $0x4200;
	s25 =	sor.u32 s28, s7;
	[tilespmem:s22+$0x0] =	vst v8;
	v14 =	vld.idx.msk [tilespmem:v5+s24+$0x0], $0xffff  }
0xd9: {  	s23 =	sor.u32 s20, s0;
	v8 =	vld.idx.msk [tilespmem:v7+s8+$0x0], $0xffff;
	[tilespmem:s25+$0x0] =	vst v9  }
0xda: {  	s5 =	sor.u32 s16, s7;
	[tilespmem:s23+$0x0] =	vst v11;
	v9 =	vld.idx.msk [tilespmem:v6+s24+$0x0], $0xffff;
	s24 =	sadd.s32 $0x8900, s9  }
0xdb: {  	s22 =	simm.s32 $0x1C00;
	v10 =	vld.idx.msk [tilespmem:v2+s11+$0x0], $0xffff;
	[tilespmem:s5+$0x0] =	vst v12;
	s25 =	sor.u32 s31, s24  }
0xdc: {  	s7 =	sadd.s32 $0x10A80, s21;
	v12 =	vld.idx.msk [tilespmem:v3+s22+$0x0], $0xffff;
	s8 =	sor.u32 s26, s24;
	[tilespmem:s25+$0x0] =	vst v15  }
0xdd: {  	s12 =	simm.s32 $0x1E00;
	v11 =	vld.idx.msk [tilespmem:v1+s11+$0x0], $0xffff;
	s5 =	sor.u32 s19, s7;
	[tilespmem:s8+$0x0] =	vst v14  }
0xde: {  	s2 =	simm.s32 $0x1E00;
	s22 =	sor.u32 s28, s24;
	v15 =	vld.idx.msk [tilespmem:v4+s12+$0x0], $0xffff;
	[tilespmem:s5+$0x0] =	vst v8  }
0xdf: {  	s6 =	sor.u32 s18, s1;
	s23 =	simm.s32 $0x4400;
	s25 =	simm.s32 $0x4;
	v14 =	vld.idx.msk [tilespmem:v5+s12+$0x0], $0xffff;
	[tilespmem:s22+$0x0] =	vst v9  }
0xe0: {  	s15 =	smov.u32 s31;
	s24 =	sor.u32 s16, s24;
	v8 =	vld.idx.msk [tilespmem:v7+s23+$0x0], $0xffff;
	[dreg:$0x5] =	wrdreg s25  }
0xe1: {  	s29 =	sor.u32 s17, s3;
	s0 =	sor.u32 s17, s0;
	s8 =	sor.u32 s17, s1;
	[tilespmem:s24+$0x0] =	vst v12  }
0xe2: {  	s5 =	sor.u32 s18, s3;
	s22 =	sadd.s32 $0x8980, s9;
	s23 =	sor.u32 s20, s1;
	v12 =	vld.idx.msk [tilespmem:v6+s12+$0x0], $0xffff;
	[tilespmem:s0+$0x0] =	vst v13  }
0xe3: {  	s1 =	sor.u32 s17, s4;
	s25 =	sadd.s32 $0x10B00, s21;
	s12 =	sor.u32 s31, s22;
	[tilespmem:s6+$0x0] =	vst v10;
	v16 =	vld.idx.msk [tilespmem:v3+s2+$0x0], $0xffff  }
0xe4: {  	s24 =	sor.u32 s19, s25;
	v17 =	vld.idx.msk [tilespmem:v0+s11+$0x0], $0xffff;
	s11 =	smov.u32 s26;
	[tilespmem:s12+$0x0] =	vst v15;
	s26 =	sor.u32 s26, s22  }
0xe5: {  	s6 =	sor.u32 s20, s4;
	s0 =	sor.u32 s28, s22;
	s31 =	sor.u32 s18, s25;
	[tilespmem:s26+$0x0] =	vst v14  }
0xe6: {  	s2 =	sor.u32 s18, s4;
	v9 =	vld.idx.msk [tilespmem:v2+s30+$0x0], $0xffff;
	s12 =	simm.s32 $0x2000;
	s4 =	sor.u32 s20, s3;
	[tilespmem:s24+$0x0] =	vst v8  }
0xe7: {  	s3 =	sor.u32 s18, s7;
	s22 =	sor.u32 s16, s22;
	v10 =	vld.idx.msk [tilespmem:v4+s12+$0x0], $0xffff;
	s26 =	simm.s32 $0x4600;
	[tilespmem:s0+$0x0] =	vst v12  }
0xe8: {  	s24 =	simm.s32 $0x2000;
	v7 =	vld.idx.msk [tilespmem:v7+s26+$0x0], $0xffff;
	s26 =	sor.u32 s17, s7;
	[tilespmem:s22+$0x0] =	vst v16;
	s22 =	sor.u32 s17, s25  }
0xe9: {  	v12 =	vld.idx.msk [tilespmem:v5+s12+$0x0], $0xffff;
	s0 =	sor.u32 s20, s7;
	s7 =	sadd.s32 $0x10B80, s21;
	[dreg:$0x7] =	wrdreg s22  }
0xea: {  	s21 =	sadd.s32 $0x8A00, s9;
	s22 =	sor.u32 s19, s7;
	v13 =	vld.idx.msk [tilespmem:v6+s12+$0x0], $0xffff;
	s12 =	sor.u32 s20, s25  }
0xeb: {  	[tilespmem:s23+$0x0] =	vst v11;
	v14 =	vld.idx.msk [tilespmem:v3+s24+$0x0], $0xffff;
	s23 =	sor.u32 s17, s7;
	s25 =	sor.u32 s15, s21;
	s24 =	smov.u32 s16  }
0xec: {  	[tilespmem:s8+$0x0] =	vst v17;
	s16 =	smov.u32 s9;
	s9 =	smov.u32 s28;
	s28 =	sor.u32 s18, s7;
	v8 =	vld.idx.msk [tilespmem:v1+s30+$0x0], $0xffff  }
0xed: {  	s8 =	sor.u32 s11, s21;
	s17 =	simm.s32 $0x80;
	[tilespmem:s25+$0x0] =	vst v10;
	v10 =	vld.idx.msk [tilespmem:v0+s30+$0x0], $0xffff;
	s30 =	simm.s32 $0x2200  }
0xee: {  	s25 =	sor.u32 s20, s7;
	s7 =	sor.u32 s24, s21;
	[tilespmem:s22+$0x0] =	vst v7;
	s22 =	sor.u32 s9, s21;
	v7 =	vmov v3;
	v15 =	vld.idx.msk [tilespmem:v4+s30+$0x0], $0xffff  }
.LBB2_2:
0xef: {  	_ = 	snop  }
0xf0: {  	v11 =	vld [tilespmem:s17+$0x0];
	s20 =	smov.u32 s15;
	s15 =	simm.s32 $0x2200;
	[tilespmem:s22+$0x0] =	vst v13  }
0xf1: {  	[tilespmem:s7+$0x0] =	vst v14;
	v13 =	vld.idx.msk [tilespmem:v6+s15+$0x0], $0xffff  }
0xf2: {  	[tilespmem:s8+$0x0] =	vst v12;
	v14 =	vld.idx.msk [tilespmem:v3+s15+$0x0], $0xffff  }
0xf3: {  	[dreg:$0x6] =	wrdreg s17;
	s22 =	smov.u32 s16;
	v12 =	vld.idx.msk [tilespmem:v5+s15+$0x0], $0xffff;
	[tilespmem:s2+$0x0] =	vst v9;
	s15 =	simm.s32 $0x4000  }
0xf4: {  	s18 =	smov.u32 s24;
	s19 =	smov.u32 s11;
	s17 =	sadd.s32 $0x8A80, s22;
	[tilespmem:s6+$0x0] =	vst v8;
	v9 =	vld.idx.msk [tilespmem:v2+s15+$0x0], $0xffff  }
0xf5: {  	s21 =	smov.u32 s9;
	[tilespmem:s1+$0x0] =	vst v10;
	s24 =	sor.u32 s18, s17;
	s11 =	sor.u32 s20, s17;
	v8 =	vld.idx.msk [tilespmem:v1+s15+$0x0], $0xffff  }
0xf6: {  	s30 =	sor.u32 s19, s17;
	s16 =	sor.u32 s21, s17;
	s17 =	simm.s32 $0x2400;
	[tilespmem:s11+$0x0] =	vst v15;
	v10 =	vld.idx.msk [tilespmem:v0+s15+$0x0], $0xffff  }
0xf7: {  	v15 =	vld.idx.msk [tilespmem:v4+s17+$0x0], $0xffff;
	[tilespmem:s16+$0x0] =	vst v13  }
0xf8: {  	[tilespmem:s24+$0x0] =	vst v14;
	v13 =	vld.idx.msk [tilespmem:v6+s17+$0x0], $0xffff  }
0xf9: {  	[tilespmem:s30+$0x0] =	vst v12;
	v14 =	vld.idx.msk [tilespmem:v3+s17+$0x0], $0xffff  }
0xfa: {  	s9 =	simm.s32 $0x4200;
	v12 =	vld.idx.msk [tilespmem:v5+s17+$0x0], $0xffff;
	[tilespmem:s5+$0x0] =	vst v9  }
0xfb: {  	s24 =	sadd.s32 $0x8B00, s22;
	[tilespmem:s4+$0x0] =	vst v8;
	v9 =	vld.idx.msk [tilespmem:v2+s9+$0x0], $0xffff  }
0xfc: {  	s8 =	sor.u32 s20, s24;
	[tilespmem:s29+$0x0] =	vst v10;
	v8 =	vld.idx.msk [tilespmem:v1+s9+$0x0], $0xffff  }
0xfd: {  	s11 =	simm.s32 $0x2600;
	s1 =	sor.u32 s21, s24;
	[tilespmem:s8+$0x0] =	vst v15;
	v10 =	vld.idx.msk [tilespmem:v0+s9+$0x0], $0xffff  }
0xfe: {  	s30 =	sor.u32 s18, s24;
	v15 =	vld.idx.msk [tilespmem:v4+s11+$0x0], $0xffff;
	[tilespmem:s1+$0x0] =	vst v13  }
0xff: {  	s7 =	sor.u32 s19, s24;
	[tilespmem:s30+$0x0] =	vst v14;
	v13 =	vld.idx.msk [tilespmem:v6+s11+$0x0], $0xffff  }
0x100: {  	[tilespmem:s7+$0x0] =	vst v12;
	v14 =	vld.idx.msk [tilespmem:v3+s11+$0x0], $0xffff  }
0x101: {  	v12 =	vld.idx.msk [tilespmem:v5+s11+$0x0], $0xffff;
	[tilespmem:s3+$0x0] =	vst v9  }
0x102: {  	s15 =	sadd.s32 $0x8B80, s22;
	s30 =	simm.s32 $0x4400;
	[tilespmem:s0+$0x0] =	vst v8  }
0x103: {  	s24 =	sor.u32 s20, s15;
	[tilespmem:s26+$0x0] =	vst v10;
	v9 =	vld.idx.msk [tilespmem:v2+s30+$0x0], $0xffff  }
0x104: {  	s1 =	sor.u32 s21, s15;
	[tilespmem:s24+$0x0] =	vst v15;
	v8 =	vld.idx.msk [tilespmem:v1+s30+$0x0], $0xffff  }
0x105: {  	s6 =	simm.s32 $0x2800;
	s16 =	sor.u32 s18, s15;
	v10 =	vld.idx.msk [tilespmem:v0+s30+$0x0], $0xffff;
	[tilespmem:s1+$0x0] =	vst v13  }
0x106: {  	s17 =	sor.u32 s19, s15;
	v15 =	vld.idx.msk [tilespmem:v4+s6+$0x0], $0xffff;
	[tilespmem:s16+$0x0] =	vst v14  }
0x107: {  	[tilespmem:s17+$0x0] =	vst v12;
	v13 =	vld.idx.msk [tilespmem:v6+s6+$0x0], $0xffff  }
0x108: {  	s26 =	rddreg [dreg:$0x3];
	v12 =	vld.idx.msk [tilespmem:v5+s6+$0x0], $0xffff;
	[tilespmem:s31+$0x0] =	vst v9  }
0x109: {  	s7 =	sadd.s32 $0xC800, s22;
	s24 =	rddreg [dreg:$0x7];
	s16 =	simm.s32 $0x4600;
	v14 =	vld.idx.msk [tilespmem:v3+s6+$0x0], $0xffff;
	[tilespmem:s12+$0x0] =	vst v8  }
0x10a: {  	s15 =	sor.u32 s20, s7;
	s2 =	sadd.s32 $0x40, s26;
	[tilespmem:s24+$0x0] =	vst v10;
	v9 =	vld.idx.msk [tilespmem:v2+s16+$0x0], $0xffff  }
0x10b: {  	s9 =	sand.u32 $0x40, s2;
	[dreg:$0x3] =	wrdreg s2;
	[tilespmem:s15+$0x0] =	vst v15;
	v15 =	vld.idx.msk [tilespmem:v1+s16+$0x0], $0xffff  }
0x10c: {  	s2 =	sand.u32 $0x780, s2;
	s5 =	sor.u32 $0x30, s9;
	s17 =	simm.s32 $0x2A00;
	v10 =	vld.idx.msk [tilespmem:v0+s16+$0x0], $0xffff  }
0x10d: {  	s0 =	sor.u32 s21, s7;
	s6 =	sor.u32 s5, s2;
	v16 =	vld.idx.msk [tilespmem:v4+s17+$0x0], $0xffff  }
0x10e: {  	s8 =	sor.u32 s18, s7;
	v8 =	vld [tilespmem:s6+$0x0];
	[tilespmem:s0+$0x0] =	vst v13  }
0x10f: {  	s11 =	sor.u32 s19, s7;
	[tilespmem:s8+$0x0] =	vst v14;
	v13 =	vld.idx.msk [tilespmem:v6+s17+$0x0], $0xffff  }
0x110: {  	[tilespmem:s11+$0x0] =	vst v12;
	v14 =	vld.idx.msk [tilespmem:v7+s17+$0x0], $0xffff  }
0x111: {  	s7 =	sor.u32 $0x10, s9;
	s8 =	sadd.s32 $0xC880, s22;
	v12 =	vld.idx.msk [tilespmem:v5+s17+$0x0], $0xffff;
	[tilespmem:s28+$0x0] =	vst v9  }
0x112: {  	v1 =	vmov v6;
	s11 =	sor.u32 s7, s2;
	s12 =	sor.u32 s20, s8;
	[tilespmem:s25+$0x0] =	vst v15  }
0x113: {  	v2 =	vmov v5;
	v0 =	vmov v3;
	s17 =	sor.u32 $0x20, s9;
	s25 =	simm.s32 $0x2C00;
	v5 =	vld [tilespmem:s11+$0x0];
	[tilespmem:s12+$0x0] =	vst v16  }
0x114: {  	s24 =	sor.u32 s21, s8;
	[tilespmem:s23+$0x0] =	vst v10;
	s0 =	sor.u32 s17, s2;
	v9 =	vld.idx.msk [tilespmem:v4+s25+$0x0], $0xffff  }
0x115: {  	v3 =	vmov v11;
	s15 =	sor.u32 s18, s8;
	v6 =	vld [tilespmem:s0+$0x0];
	[tilespmem:s24+$0x0] =	vst v13  }
0x116: {  	[tilespmem:s15+$0x0] =	vst v14;
	v14 =	vld.idx.msk [tilespmem:v8+s10+$0x0], $0xffff  }
0x117: {  	v7 =	vmov v11;
	s16 =	sor.u32 s19, s8;
	s11 =	rddreg [dreg:$0x4];
	v11 =	vld.idx.msk [tilespmem:v1+s25+$0x0], $0xffff  }
0x118: {  	s26 =	sadd.s32 $0xC900, s22;
	s12 =	sadd.s32 $0x200, s11;
	[tilespmem:s16+$0x0] =	vst v12;
	v12 =	vld.idx.msk [tilespmem:v0+s25+$0x0], $0xffff  }
0x119: {  	s6 =	sor.u32 s20, s26;
	s16 =	sand.u32 $0x3C00, s12;
	v10 =	vld.idx.msk [tilespmem:v2+s25+$0x0], $0xffff  }
0x11a: {  	s8 =	simm.s32 $0x2E00;
	v13 =	vld.idx.msk [tilespmem:v3+s10+$0x0], $0xffff;
	s15 =	sadd.s32 $0x4800, s16;
	[tilespmem:s6+$0x0] =	vst v9  }
0x11b: {  	s30 =	rddreg [dreg:$0x5];
	s2 =	sor.u32 s5, s15;
	v9 =	vld.idx.msk [tilespmem:v4+s8+$0x0], $0xffff  }
0x11c: {  	s4 =	sadd.s32 $0x4, s30;
	s30 =	sor.u32 s18, s26;
	v15 =	vld.idx.msk [tilespmem:v5+s10+$0x0], $0xffff;
	[tilespmem:s2+$0x0] =	vst v14  }
0x11d: {  	[dreg:$0x5] =	wrdreg s4;
	p1 =	slt.u32 s4, $0x7C;
	s4 =	sor.u32 s19, s26;
	[tilespmem:s30+$0x0] =	vst v12;
	v16 =	vld.idx.msk [tilespmem:v8+s13+$0x0], $0xffff  }
0x11e: {  	[tilespmem:s4+$0x0] =	vst v10;
	v10 =	vld.idx.msk [tilespmem:v6+s10+$0x0], $0xffff  }
0x11f: {  	s0 =	sor.u32 s21, s26;
	v14 =	vld.idx.msk [tilespmem:v0+s8+$0x0], $0xffff  }
0x120: {  	s23 =	sadd.s32 $0xC980, s22;
	[tilespmem:s0+$0x0] =	vst v11;
	s0 =	sor.u32 s9, s15;
	v11 =	vld.idx.msk [tilespmem:v2+s8+$0x0], $0xffff  }
0x121: {  	s24 =	sor.u32 s20, s23;
	v12 =	vld.idx.msk [tilespmem:v1+s8+$0x0], $0xffff;
	[tilespmem:s0+$0x0] =	vst v13  }
0x122: {  	s3 =	sor.u32 s7, s15;
	s30 =	simm.s32 $0x3000;
	[tilespmem:s24+$0x0] =	vst v9;
	v13 =	vld.idx.msk [tilespmem:v3+s13+$0x0], $0xffff  }
0x123: {  	[tilespmem:s3+$0x0] =	vst v15;
	v9 =	vld.idx.msk [tilespmem:v4+s30+$0x0], $0xffff  }
0x124: {  	s1 =	sor.u32 s17, s15;
	v15 =	vld.idx.msk [tilespmem:v5+s13+$0x0], $0xffff;
	[tilespmem:s2+$0x80] =	vst v16  }
0x125: {  	s26 =	sor.u32 s19, s23;
	[tilespmem:s1+$0x0] =	vst v10;
	v16 =	vld.idx.msk [tilespmem:v8+s14+$0x0], $0xffff  }
0x126: {  	[dreg:$0x9] =	wrdreg s5;
	s5 =	sor.u32 s21, s23;
	v10 =	vld.idx.msk [tilespmem:v6+s13+$0x0], $0xffff;
	[tilespmem:s26+$0x0] =	vst v11  }
0x127: {  	s8 =	sadd.s32 $0xCA00, s22;
	[tilespmem:s5+$0x0] =	vst v12;
	v11 =	vld.idx.msk [tilespmem:v2+s30+$0x0], $0xffff  }
0x128: {  	s13 =	sor.u32 s20, s8;
	v12 =	vld.idx.msk [tilespmem:v1+s30+$0x0], $0xffff;
	[tilespmem:s0+$0x80] =	vst v13  }
0x129: {  	s25 =	sor.u32 s18, s23;
	s24 =	simm.s32 $0x3200;
	[tilespmem:s13+$0x0] =	vst v9;
	v13 =	vld.idx.msk [tilespmem:v3+s14+$0x0], $0xffff  }
0x12a: {  	[tilespmem:s25+$0x0] =	vst v14;
	v9 =	vld.idx.msk [tilespmem:v4+s24+$0x0], $0xffff  }
0x12b: {  	[tilespmem:s3+$0x80] =	vst v15;
	v14 =	vld.idx.msk [tilespmem:v0+s30+$0x0], $0xffff  }
0x12c: {  	s11 =	sor.u32 s19, s8;
	v15 =	vld.idx.msk [tilespmem:v5+s14+$0x0], $0xffff;
	[tilespmem:s1+$0x80] =	vst v10  }
0x12d: {  	v10 =	vld.idx.msk [tilespmem:v6+s14+$0x0], $0xffff;
	[tilespmem:s11+$0x0] =	vst v11  }
0x12e: {  	s25 =	sadd.s32 $0xCA80, s22;
	[tilespmem:s2+$0x100] =	vst v16;
	s11 =	simm.s32 $0xE00;
	v11 =	vld.idx.msk [tilespmem:v2+s24+$0x0], $0xffff  }
0x12f: {  	s10 =	sor.u32 s20, s25;
	v16 =	vld.idx.msk [tilespmem:v8+s11+$0x0], $0xffff;
	[tilespmem:s0+$0x100] =	vst v13  }
0x130: {  	s31 =	simm.s32 $0x3400;
	s5 =	sor.u32 s18, s8;
	[tilespmem:s10+$0x0] =	vst v9;
	v13 =	vld.idx.msk [tilespmem:v3+s11+$0x0], $0xffff  }
0x131: {  	[tilespmem:s5+$0x0] =	vst v14;
	v9 =	vld.idx.msk [tilespmem:v4+s31+$0x0], $0xffff  }
0x132: {  	[tilespmem:s3+$0x100] =	vst v15;
	v14 =	vld.idx.msk [tilespmem:v0+s24+$0x0], $0xffff  }
0x133: {  	s15 =	sor.u32 s21, s8;
	v15 =	vld.idx.msk [tilespmem:v5+s11+$0x0], $0xffff;
	[tilespmem:s1+$0x100] =	vst v10  }
0x134: {  	s26 =	sor.u32 s18, s25;
	s30 =	sor.u32 s19, s25;
	v10 =	vld.idx.msk [tilespmem:v6+s11+$0x0], $0xffff;
	[tilespmem:s15+$0x0] =	vst v12  }
0x135: {  	s6 =	sor.u32 s21, s25;
	s25 =	simm.s32 $0x1000;
	s14 =	sadd.s32 $0xCB00, s22;
	[tilespmem:s2+$0x180] =	vst v16;
	v12 =	vld.idx.msk [tilespmem:v1+s24+$0x0], $0xffff  }
0x136: {  	p0 =	por !p0, !p0;
	s5 =	simm.s32 $0x1;
	s15 =	sor.u32 s20, s14;
	v16 =	vld.idx.msk [tilespmem:v8+s25+$0x0], $0xffff;
	[tilespmem:s0+$0x180] =	vst v13  }
0x137: {  	s5 =	simm.s32 @!p0 $0x0;
	s11 =	simm.s32 $0x3600;
	[tilespmem:s15+$0x0] =	vst v9;
	v13 =	vld.idx.msk [tilespmem:v3+s25+$0x0], $0xffff  }
0x138: {  	[dreg:$0xb] =	wrdreg s26;
	s26 =	sshll.u32 s5, $0x6;
	[tilespmem:s3+$0x180] =	vst v15;
	v9 =	vld.idx.msk [tilespmem:v4+s11+$0x0], $0xffff  }
0x139: {  	s3 =	sadd.s32 s26, s12;
	v15 =	vld.idx.msk [tilespmem:v5+s25+$0x0], $0xffff;
	[tilespmem:s30+$0x0] =	vst v11  }
0x13a: {  	[dreg:$0x4] =	wrdreg s12;
	s23 =	sor.u32 s21, s14;
	s4 =	sadd.s32 $0x30, s3;
	[tilespmem:s1+$0x180] =	vst v10;
	v11 =	vld.idx.msk [tilespmem:v2+s31+$0x0], $0xffff  }
0x13b: {  	s2 =	sor.u32 s18, s14;
	s24 =	sor.u32 s19, s14;
	s1 =	sor.u32 $0x200, s4;
	v10 =	vld.idx.msk [tilespmem:v6+s25+$0x0], $0xffff;
	[tilespmem:s6+$0x0] =	vst v12  }
0x13c: {  	s26 =	sadd.s32 $0xCB80, s22;
	s10 =	sor.u32 $0x200, s3;
	[tilespmem:s1+$0x4800] =	vst v16;
	s1 =	simm.s32 $0x1200  }
0x13d: {  	s12 =	simm.s32 $0x3800;
	s0 =	sadd.s32 $0x10, s3;
	s25 =	sor.u32 s20, s26;
	v16 =	vld.idx.msk [tilespmem:v8+s1+$0x0], $0xffff;
	[tilespmem:s10+$0x4800] =	vst v13  }
0x13e: {  	s8 =	sadd.s32 $0x20, s3;
	s14 =	sor.u32 $0x280, s3;
	s30 =	sor.u32 $0x200, s0;
	[tilespmem:s25+$0x0] =	vst v9;
	v13 =	vld.idx.msk [tilespmem:v3+s1+$0x0], $0xffff  }
0x13f: {  	s5 =	sor.u32 $0x380, s3;
	s29 =	sor.u32 $0x200, s8;
	s13 =	sor.u32 $0x280, s8;
	[tilespmem:s30+$0x4800] =	vst v15;
	v9 =	vld.idx.msk [tilespmem:v4+s12+$0x0], $0xffff  }
0x140: {  	s28 =	sor.u32 $0x300, s8;
	s6 =	sor.u32 s18, s26;
	s10 =	sor.u32 s21, s26;
	v15 =	vld.idx.msk [tilespmem:v5+s1+$0x0], $0xffff;
	[tilespmem:s24+$0x0] =	vst v11  }
0x141: {  	v12 =	vld.idx.msk [tilespmem:v1+s31+$0x0], $0xffff;
	[tilespmem:s29+$0x4800] =	vst v10;
	s29 =	sor.u32 $0x380, s8;
	s8 =	sor.u32 s19, s26;
	s26 =	rddreg [dreg:$0xb]  }
0x142: {  	s25 =	sor.u32 $0x300, s3;
	s3 =	sadd.s32 $0x10800, s22;
	v10 =	vld.idx.msk [tilespmem:v6+s1+$0x0], $0xffff;
	[tilespmem:s26+$0x0] =	vst v14;
	s1 =	sor.u32 $0x280, s4  }
0x143: {  	v11 =	vld.idx.msk [tilespmem:v2+s11+$0x0], $0xffff;
	s26 =	sor.u32 s18, s3;
	[tilespmem:s1+$0x4800] =	vst v16  }
0x144: {  	v14 =	vld.idx.msk [tilespmem:v0+s31+$0x0], $0xffff;
	[dreg:$0xa] =	wrdreg s26;
	s1 =	sor.u32 s20, s3;
	s26 =	simm.s32 $0x1400;
	[tilespmem:s14+$0x4800] =	vst v13  }
0x145: {  	s15 =	sor.u32 $0x280, s0;
	v16 =	vld.idx.msk [tilespmem:v8+s26+$0x0], $0xffff;
	[tilespmem:s1+$0x0] =	vst v9  }
0x146: {  	v13 =	vld.idx.msk [tilespmem:v3+s26+$0x0], $0xffff;
	[tilespmem:s15+$0x4800] =	vst v15;
	s15 =	simm.s32 $0x3A00  }
0x147: {  	v9 =	vld.idx.msk [tilespmem:v4+s15+$0x0], $0xffff  }
0x148: {  	v15 =	vld.idx.msk [tilespmem:v5+s26+$0x0], $0xffff;
	[tilespmem:s13+$0x4800] =	vst v10  }
0x149: {  	v10 =	vld.idx.msk [tilespmem:v6+s26+$0x0], $0xffff;
	[tilespmem:s23+$0x0] =	vst v12  }
0x14a: {  	s1 =	sor.u32 $0x300, s4;
	[tilespmem:s2+$0x0] =	vst v14;
	v12 =	vld.idx.msk [tilespmem:v1+s11+$0x0], $0xffff  }
0x14b: {  	s13 =	sadd.s32 $0x10880, s22;
	s23 =	simm.s32 $0x1600;
	[tilespmem:s1+$0x4800] =	vst v16;
	v14 =	vld.idx.msk [tilespmem:v0+s11+$0x0], $0xffff  }
0x14c: {  	s14 =	sor.u32 s20, s13;
	[tilespmem:s25+$0x4800] =	vst v13;
	v16 =	vld.idx.msk [tilespmem:v8+s23+$0x0], $0xffff  }
0x14d: {  	[dreg:$0x8] =	wrdreg s7;
	s7 =	sor.u32 $0x300, s0;
	s11 =	simm.s32 $0x3C00;
	v13 =	vld.idx.msk [tilespmem:v3+s23+$0x0], $0xffff;
	[tilespmem:s14+$0x0] =	vst v9  }
0x14e: {  	[tilespmem:s7+$0x4800] =	vst v15;
	v9 =	vld.idx.msk [tilespmem:v4+s11+$0x0], $0xffff  }
0x14f: {  	v15 =	vld.idx.msk [tilespmem:v5+s23+$0x0], $0xffff;
	[tilespmem:s8+$0x0] =	vst v11  }
0x150: {  	s30 =	sor.u32 $0x380, s0;
	[tilespmem:s28+$0x4800] =	vst v10  }
0x151: {  	s0 =	sor.u32 s21, s3;
	s31 =	sor.u32 s19, s3;
	s7 =	sor.u32 $0x380, s4;
	v10 =	vld.idx.msk [tilespmem:v6+s23+$0x0], $0xffff;
	[tilespmem:s10+$0x0] =	vst v12  }
0x152: {  	s24 =	sor.u32 s18, s13;
	s26 =	sor.u32 s19, s13;
	s8 =	sadd.s32 $0x10900, s22;
	v11 =	vld.idx.msk [tilespmem:v2+s12+$0x0], $0xffff;
	[tilespmem:s7+$0x4800] =	vst v16  }
0x153: {  	s3 =	sor.u32 s21, s13;
	s14 =	simm.s32 $0x1800;
	s13 =	sor.u32 s20, s8;
	v12 =	vld.idx.msk [tilespmem:v1+s12+$0x0], $0xffff;
	[tilespmem:s5+$0x4800] =	vst v13  }
0x154: {  	v16 =	vld.idx.msk [tilespmem:v8+s14+$0x0], $0xffff;
	[tilespmem:s13+$0x0] =	vst v9  }
0x155: {  	v13 =	vld.idx.msk [tilespmem:v3+s14+$0x0], $0xffff;
	[tilespmem:s30+$0x4800] =	vst v15;
	s30 =	simm.s32 $0x3E00  }
0x156: {  	s4 =	sadd.s32 $0x8800, s16;
	[tilespmem:s6+$0x0] =	vst v14;
	v9 =	vld.idx.msk [tilespmem:v4+s30+$0x0], $0xffff  }
0x157: {  	s28 =	sor.u32 s19, s8;
	s25 =	sor.u32 s21, s8;
	s13 =	rddreg [dreg:$0x9];
	v15 =	vld.idx.msk [tilespmem:v5+s14+$0x0], $0xffff;
	[tilespmem:s31+$0x0] =	vst v11  }
0x158: {  	s23 =	sor.u32 s18, s8;
	s10 =	sadd.s32 $0x10980, s22;
	v14 =	vld.idx.msk [tilespmem:v0+s12+$0x0], $0xffff;
	s7 =	sor.u32 s13, s4;
	[tilespmem:s29+$0x4800] =	vst v10  }
0x159: {  	s8 =	sor.u32 s17, s4;
	s5 =	sor.u32 s9, s4;
	s31 =	rddreg [dreg:$0x8];
	v10 =	vld.idx.msk [tilespmem:v6+s14+$0x0], $0xffff;
	[tilespmem:s7+$0x0] =	vst v16  }
0x15a: {  	s12 =	simm.s32 $0x1A00;
	v11 =	vld.idx.msk [tilespmem:v2+s15+$0x0], $0xffff;
	s14 =	sor.u32 s31, s4;
	s4 =	sor.u32 s20, s10;
	[tilespmem:s5+$0x0] =	vst v13  }
0x15b: {  	v16 =	vld.idx.msk [tilespmem:v8+s12+$0x0], $0xffff;
	[tilespmem:s4+$0x0] =	vst v9  }
0x15c: {  	v13 =	vld.idx.msk [tilespmem:v3+s12+$0x0], $0xffff;
	[tilespmem:s14+$0x0] =	vst v15;
	s14 =	simm.s32 $0x4000  }
0x15d: {  	v9 =	vld.idx.msk [tilespmem:v4+s14+$0x0], $0xffff  }
0x15e: {  	s1 =	sor.u32 s18, s10;
	s2 =	sor.u32 s19, s10;
	v15 =	vld.idx.msk [tilespmem:v5+s12+$0x0], $0xffff;
	[tilespmem:s8+$0x0] =	vst v10  }
0x15f: {  	s6 =	sor.u32 s21, s10;
	s10 =	sadd.s32 $0x8880, s16;
	v10 =	vld.idx.msk [tilespmem:v6+s12+$0x0], $0xffff;
	[tilespmem:s0+$0x0] =	vst v12;
	s12 =	rddreg [dreg:$0xa]  }
0x160: {  	s14 =	sor.u32 s13, s10;
	[tilespmem:s12+$0x0] =	vst v14;
	v12 =	vld.idx.msk [tilespmem:v1+s15+$0x0], $0xffff  }
0x161: {  	s7 =	sor.u32 s9, s10;
	s0 =	sadd.s32 $0x10A00, s22;
	[tilespmem:s14+$0x0] =	vst v16;
	s12 =	simm.s32 $0x1C00;
	v14 =	vld.idx.msk [tilespmem:v0+s15+$0x0], $0xffff  }
0x162: {  	s14 =	sor.u32 s20, s0;
	v16 =	vld.idx.msk [tilespmem:v8+s12+$0x0], $0xffff;
	[tilespmem:s7+$0x0] =	vst v13  }
0x163: {  	s8 =	sor.u32 s31, s10;
	[tilespmem:s14+$0x0] =	vst v9;
	s14 =	simm.s32 $0x4200;
	v13 =	vld.idx.msk [tilespmem:v3+s12+$0x0], $0xffff  }
0x164: {  	[tilespmem:s8+$0x0] =	vst v15;
	v9 =	vld.idx.msk [tilespmem:v4+s14+$0x0], $0xffff  }
0x165: {  	s10 =	sor.u32 s17, s10;
	v15 =	vld.idx.msk [tilespmem:v5+s12+$0x0], $0xffff;
	[tilespmem:s26+$0x0] =	vst v11  }
0x166: {  	s15 =	smov.u32 s13;
	s8 =	sadd.s32 $0x8900, s16;
	[tilespmem:s10+$0x0] =	vst v10  }
0x167: {  	v10 =	vld.idx.msk [tilespmem:v6+s12+$0x0], $0xffff;
	s12 =	sor.u32 s15, s8;
	[tilespmem:s3+$0x0] =	vst v12  }
0x168: {  	s7 =	sor.u32 s9, s8;
	s13 =	sor.u32 s31, s8;
	s10 =	sadd.s32 $0x10A80, s22;
	v11 =	vld.idx.msk [tilespmem:v2+s11+$0x0], $0xffff;
	[tilespmem:s12+$0x0] =	vst v16  }
0x169: {  	s14 =	sor.u32 s17, s8;
	s8 =	sor.u32 s20, s10;
	v16 =	vld.idx.msk [tilespmem:v1+s11+$0x0], $0xffff;
	s12 =	simm.s32 $0x1E00;
	[tilespmem:s7+$0x0] =	vst v13  }
0x16a: {  	v12 =	vld.idx.msk [tilespmem:v8+s12+$0x0], $0xffff;
	[tilespmem:s8+$0x0] =	vst v9  }
0x16b: {  	[tilespmem:s13+$0x0] =	vst v15;
	s13 =	simm.s32 $0x4400;
	v13 =	vld.idx.msk [tilespmem:v3+s12+$0x0], $0xffff  }
0x16c: {  	s29 =	sor.u32 s18, s0;
	v15 =	vld.idx.msk [tilespmem:v4+s13+$0x0], $0xffff  }
0x16d: {  	s5 =	sor.u32 s19, s0;
	s4 =	sor.u32 s21, s0;
	s26 =	sor.u32 s18, s10;
	[tilespmem:s24+$0x0] =	vst v14;
	v17 =	vld.idx.msk [tilespmem:v5+s12+$0x0], $0xffff  }
0x16e: {  	s3 =	sor.u32 s19, s10;
	s0 =	sor.u32 s21, s10;
	s10 =	sadd.s32 $0x8980, s16;
	v18 =	vld.idx.msk [tilespmem:v0+s11+$0x0], $0xffff;
	[tilespmem:s14+$0x0] =	vst v10  }
0x16f: {  	s7 =	sor.u32 s17, s10;
	s8 =	sor.u32 s9, s10;
	[tilespmem:s28+$0x0] =	vst v11;
	v10 =	vld.idx.msk [tilespmem:v6+s12+$0x0], $0xffff;
	s12 =	sor.u32 s15, s10  }
0x170: {  	s24 =	smov.u32 s9;
	s9 =	smov.u32 s17;
	s13 =	sadd.s32 $0x10B00, s22;
	[tilespmem:s12+$0x0] =	vst v12  }
0x171: {  	s17 =	simm.s32 $0x2000;
	s14 =	sor.u32 s31, s10;
	v9 =	vld.idx.msk [tilespmem:v2+s30+$0x0], $0xffff;
	s10 =	sor.u32 s20, s13;
	[tilespmem:s8+$0x0] =	vst v13  }
0x172: {  	s11 =	smov.u32 s31;
	s12 =	sor.u32 s18, s13;
	v11 =	vld.idx.msk [tilespmem:v8+s17+$0x0], $0xffff;
	[tilespmem:s10+$0x0] =	vst v15  }
0x173: {  	s31 =	sor.u32 s19, s13;
	[dreg:$0x7] =	wrdreg s12;
	[tilespmem:s14+$0x0] =	vst v17;
	s14 =	simm.s32 $0x4600;
	v14 =	vld.idx.msk [tilespmem:v3+s17+$0x0], $0xffff  }
0x174: {  	s12 =	sor.u32 s21, s13;
	s13 =	sadd.s32 $0x8A00, s16;
	s10 =	rddreg [dreg:$0x6];
	[tilespmem:s23+$0x0] =	vst v18;
	v17 =	vld.idx.msk [tilespmem:v4+s14+$0x0], $0xffff;
	v4 =	vmov v8  }
.Ltmp0:
0x175: {  	s8 =	sor.u32 s11, s13;
	v12 =	vld.idx.msk [tilespmem:v5+s17+$0x0], $0xffff;
	s14 =	sor.u32 s15, s13;
	[tilespmem:s7+$0x0] =	vst v10;
	(pc) =	sbr.rel @p1 .LBB2_2-.Ltmp0, $4  }
0x176: {  	s7 =	sor.u32 s24, s13;
	v13 =	vld.idx.msk [tilespmem:v6+s17+$0x0], $0xffff;
	s17 =	sadd.s32 $0x40, s10;
	[tilespmem:s25+$0x0] =	vst v16;
	s25 =	sadd.s32 $0x10B80, s22  }
0x177: {  	v10 =	vld.idx.msk [tilespmem:v0+s30+$0x0], $0xffff;
	s22 =	sor.u32 s9, s13;
	s13 =	simm.s32 $0xA00;
	s10 =	sor.u32 s20, s25  }
0x178: {  	v8 =	vld.idx.msk [tilespmem:v1+s30+$0x0], $0xffff;
	[tilespmem:s14+$0x0] =	vst v11;
	s30 =	simm.s32 $0x2200;
	s23 =	sor.u32 s18, s25;
	s28 =	sor.u32 s19, s25  }
0x179: {  	s25 =	sor.u32 s21, s25;
	s14 =	simm.s32 $0xC00;
	v15 =	vld.idx.msk [tilespmem:v4+s30+$0x0], $0xffff;
	[tilespmem:s10+$0x0] =	vst v17;
	s10 =	simm.s32 $0x800  }
0x17a: {  	_ =	sdelay $0x2  }
0x17b: {  	[tilespmem:s8+$0x0] =	vst v12;
	s19 =	simm.s32 $0x2200  }
0x17c: {  	[tilespmem:s7+$0x0] =	vst v14;
	v11 =	vld.idx.msk [tilespmem:v5+s19+$0x0], $0xffff  }
0x17d: {  	[tilespmem:s22+$0x0] =	vst v13;
	v29 =	vld.idx.msk [tilespmem:v3+s19+$0x0], $0xffff  }
0x17e: {  	s20 =	sadd.s32 $0x8A80, s16;
	v28 =	vld.idx.msk [tilespmem:v6+s19+$0x0], $0xffff  }
0x17f: {  	s21 =	sor.u32 s15, s20  }
0x180: {  	s18 =	simm.s32 $0x2400;
	s22 =	sor.u32 s11, s20;
	[tilespmem:s21+$0x0] =	vst v15  }
0x181: {  	s7 =	sor.u32 s24, s20;
	v30 =	vld.idx.msk [tilespmem:v4+s18+$0x0], $0xffff;
	[tilespmem:s22+$0x0] =	vst v11  }
0x182: {  	s30 =	sor.u32 s9, s20;
	[tilespmem:s7+$0x0] =	vst v29;
	v31 =	vld.idx.msk [tilespmem:v5+s18+$0x0], $0xffff  }
0x183: {  	s17 =	smov.u32 s16;
	[tilespmem:s30+$0x0] =	vst v28;
	v13 =	vld.idx.msk [tilespmem:v3+s18+$0x0], $0xffff  }
0x184: {  	s19 =	sadd.s32 $0x8B00, s17;
	v12 =	vld.idx.msk [tilespmem:v6+s18+$0x0], $0xffff  }
0x185: {  	s20 =	sor.u32 s15, s19  }
0x186: {  	s21 =	sor.u32 s11, s19;
	s30 =	simm.s32 $0x2600;
	[tilespmem:s20+$0x0] =	vst v30  }
0x187: {  	s7 =	sor.u32 s24, s19;
	v11 =	vld.idx.msk [tilespmem:v4+s30+$0x0], $0xffff;
	[tilespmem:s21+$0x0] =	vst v31  }
0x188: {  	s22 =	sor.u32 s9, s19;
	[tilespmem:s7+$0x0] =	vst v13;
	v14 =	vld.idx.msk [tilespmem:v5+s30+$0x0], $0xffff  }
0x189: {  	[tilespmem:s22+$0x0] =	vst v12;
	v13 =	vld.idx.msk [tilespmem:v3+s30+$0x0], $0xffff  }
0x18a: {  	s18 =	sadd.s32 $0x8B80, s17;
	v12 =	vld.idx.msk [tilespmem:v6+s30+$0x0], $0xffff  }
0x18b: {  	s19 =	sor.u32 s15, s18  }
0x18c: {  	s20 =	sor.u32 s11, s18;
	s22 =	simm.s32 $0x2800;
	[tilespmem:s19+$0x0] =	vst v11  }
0x18d: {  	s7 =	sor.u32 s24, s18;
	v11 =	vld.idx.msk [tilespmem:v4+s22+$0x0], $0xffff;
	[tilespmem:s20+$0x0] =	vst v14  }
0x18e: {  	s21 =	sor.u32 s9, s18;
	[tilespmem:s7+$0x0] =	vst v13;
	v14 =	vld.idx.msk [tilespmem:v5+s22+$0x0], $0xffff  }
0x18f: {  	[tilespmem:s21+$0x0] =	vst v12;
	v13 =	vld.idx.msk [tilespmem:v3+s22+$0x0], $0xffff  }
0x190: {  	s30 =	sadd.s32 $0xC800, s17;
	v12 =	vld.idx.msk [tilespmem:v6+s22+$0x0], $0xffff  }
0x191: {  	s16 =	sor.u32 s15, s30  }
0x192: {  	s18 =	sor.u32 s11, s30;
	s20 =	simm.s32 $0x2A00;
	[tilespmem:s16+$0x0] =	vst v11  }
0x193: {  	s7 =	sor.u32 s24, s30;
	v11 =	vld.idx.msk [tilespmem:v4+s20+$0x0], $0xffff;
	[tilespmem:s18+$0x0] =	vst v14  }
0x194: {  	s19 =	sor.u32 s9, s30;
	[tilespmem:s7+$0x0] =	vst v13;
	v14 =	vld.idx.msk [tilespmem:v5+s20+$0x0], $0xffff  }
0x195: {  	[tilespmem:s19+$0x0] =	vst v12;
	v7 =	vld.idx.msk [tilespmem:v7+s20+$0x0], $0xffff  }
0x196: {  	s21 =	sadd.s32 $0xC880, s17;
	v12 =	vld.idx.msk [tilespmem:v6+s20+$0x0], $0xffff  }
0x197: {  	s22 =	sor.u32 s15, s21  }
0x198: {  	s30 =	sor.u32 s11, s21;
	s18 =	simm.s32 $0x2C00;
	[tilespmem:s22+$0x0] =	vst v11  }
0x199: {  	s7 =	sor.u32 s24, s21;
	v11 =	vld.idx.msk [tilespmem:v4+s18+$0x0], $0xffff;
	[tilespmem:s30+$0x0] =	vst v14  }
0x19a: {  	s16 =	sor.u32 s9, s21;
	[tilespmem:s7+$0x0] =	vst v7;
	v32 =	vld.idx.msk [tilespmem:v5+s18+$0x0], $0xffff  }
0x19b: {  	[tilespmem:s16+$0x0] =	vst v12;
	v34 =	vld.idx.msk [tilespmem:v3+s18+$0x0], $0xffff  }
0x19c: {  	s19 =	sadd.s32 $0xC900, s17;
	v33 =	vld.idx.msk [tilespmem:v6+s18+$0x0], $0xffff  }
0x19d: {  	s20 =	sor.u32 s15, s19  }
0x19e: {  	s21 =	sor.u32 s11, s19;
	s30 =	simm.s32 $0x2E00;
	[tilespmem:s20+$0x0] =	vst v11  }
0x19f: {  	s7 =	sor.u32 s24, s19;
	v11 =	vld.idx.msk [tilespmem:v4+s30+$0x0], $0xffff;
	[tilespmem:s21+$0x0] =	vst v32  }
0x1a0: {  	s22 =	sor.u32 s9, s19;
	[tilespmem:s7+$0x0] =	vst v34;
	v35 =	vld.idx.msk [tilespmem:v5+s30+$0x0], $0xffff  }
0x1a1: {  	[tilespmem:s22+$0x0] =	vst v33;
	v37 =	vld.idx.msk [tilespmem:v3+s30+$0x0], $0xffff  }
0x1a2: {  	s18 =	sadd.s32 $0xC980, s17;
	v36 =	vld.idx.msk [tilespmem:v6+s30+$0x0], $0xffff  }
0x1a3: {  	s19 =	sor.u32 s15, s18  }
0x1a4: {  	s20 =	sor.u32 s11, s18;
	s22 =	simm.s32 $0x3000;
	[tilespmem:s19+$0x0] =	vst v11  }
0x1a5: {  	s7 =	sor.u32 s24, s18;
	v38 =	vld.idx.msk [tilespmem:v4+s22+$0x0], $0xffff;
	[tilespmem:s20+$0x0] =	vst v35  }
0x1a6: {  	s21 =	sor.u32 s9, s18;
	[tilespmem:s7+$0x0] =	vst v37;
	v39 =	vld.idx.msk [tilespmem:v5+s22+$0x0], $0xffff  }
0x1a7: {  	[tilespmem:s21+$0x0] =	vst v36;
	v13 =	vld.idx.msk [tilespmem:v3+s22+$0x0], $0xffff  }
0x1a8: {  	s30 =	sadd.s32 $0xCA00, s17;
	v12 =	vld.idx.msk [tilespmem:v6+s22+$0x0], $0xffff  }
0x1a9: {  	s18 =	sor.u32 s15, s30  }
0x1aa: {  	s19 =	sor.u32 s11, s30;
	s21 =	simm.s32 $0x3200;
	[tilespmem:s18+$0x0] =	vst v38  }
0x1ab: {  	s7 =	sor.u32 s24, s30;
	v7 =	vld.idx.msk [tilespmem:v4+s21+$0x0], $0xffff;
	[tilespmem:s19+$0x0] =	vst v39  }
0x1ac: {  	s20 =	sor.u32 s9, s30;
	[tilespmem:s7+$0x0] =	vst v13;
	v11 =	vld.idx.msk [tilespmem:v5+s21+$0x0], $0xffff  }
0x1ad: {  	[tilespmem:s20+$0x0] =	vst v12;
	v13 =	vld.idx.msk [tilespmem:v3+s21+$0x0], $0xffff  }
0x1ae: {  	s22 =	sadd.s32 $0xCA80, s17;
	v12 =	vld.idx.msk [tilespmem:v6+s21+$0x0], $0xffff  }
0x1af: {  	s30 =	sor.u32 s15, s22  }
0x1b0: {  	s16 =	sor.u32 s11, s22;
	s19 =	simm.s32 $0x3400;
	[tilespmem:s30+$0x0] =	vst v7  }
0x1b1: {  	s7 =	sor.u32 s24, s22;
	v7 =	vld.idx.msk [tilespmem:v4+s19+$0x0], $0xffff;
	[tilespmem:s16+$0x0] =	vst v11  }
0x1b2: {  	s18 =	sor.u32 s9, s22;
	[tilespmem:s7+$0x0] =	vst v13;
	v11 =	vld.idx.msk [tilespmem:v5+s19+$0x0], $0xffff  }
0x1b3: {  	[tilespmem:s18+$0x0] =	vst v12;
	v13 =	vld.idx.msk [tilespmem:v3+s19+$0x0], $0xffff  }
0x1b4: {  	s20 =	sadd.s32 $0xCB00, s17;
	v12 =	vld.idx.msk [tilespmem:v6+s19+$0x0], $0xffff  }
0x1b5: {  	s21 =	sor.u32 s15, s20  }
0x1b6: {  	s22 =	sor.u32 s11, s20;
	s18 =	simm.s32 $0x3600;
	[tilespmem:s21+$0x0] =	vst v7  }
0x1b7: {  	s7 =	sor.u32 s24, s20;
	v7 =	vld.idx.msk [tilespmem:v4+s18+$0x0], $0xffff;
	[tilespmem:s22+$0x0] =	vst v11  }
0x1b8: {  	s30 =	sor.u32 s9, s20;
	[tilespmem:s7+$0x0] =	vst v13;
	v11 =	vld.idx.msk [tilespmem:v5+s18+$0x0], $0xffff  }
0x1b9: {  	[tilespmem:s30+$0x0] =	vst v12;
	v13 =	vld.idx.msk [tilespmem:v3+s18+$0x0], $0xffff  }
0x1ba: {  	s19 =	sadd.s32 $0xCB80, s17;
	v12 =	vld.idx.msk [tilespmem:v6+s18+$0x0], $0xffff  }
0x1bb: {  	s16 =	smov.u32 s11;
	s20 =	sor.u32 s15, s19  }
0x1bc: {  	s21 =	sor.u32 s16, s19;
	s22 =	simm.s32 $0x3800;
	[tilespmem:s20+$0x0] =	vst v7  }
0x1bd: {  	s7 =	sor.u32 s24, s19;
	v7 =	vld.idx.msk [tilespmem:v4+s22+$0x0], $0xffff;
	[tilespmem:s21+$0x0] =	vst v11  }
0x1be: {  	s30 =	sor.u32 s9, s19;
	[tilespmem:s7+$0x0] =	vst v13;
	v11 =	vld.idx.msk [tilespmem:v5+s22+$0x0], $0xffff  }
0x1bf: {  	[tilespmem:s30+$0x0] =	vst v12;
	v13 =	vld.idx.msk [tilespmem:v3+s22+$0x0], $0xffff  }
0x1c0: {  	s18 =	sadd.s32 $0x10800, s17;
	v12 =	vld.idx.msk [tilespmem:v6+s22+$0x0], $0xffff  }
0x1c1: {  	[tilespmem:s2+$0x0] =	vst v9;
	s19 =	sor.u32 s15, s18  }
0x1c2: {  	s20 =	sor.u32 s16, s18;
	s22 =	simm.s32 $0x3A00;
	[tilespmem:s19+$0x0] =	vst v7  }
0x1c3: {  	s30 =	sor.u32 s24, s18;
	v7 =	vld.idx.msk [tilespmem:v4+s22+$0x0], $0xffff;
	[tilespmem:s20+$0x0] =	vst v11  }
0x1c4: {  	s21 =	sor.u32 s9, s18;
	[tilespmem:s30+$0x0] =	vst v13;
	v40 =	vld.idx.msk [tilespmem:v5+s22+$0x0], $0xffff  }
0x1c5: {  	[tilespmem:s21+$0x0] =	vst v12;
	v42 =	vld.idx.msk [tilespmem:v3+s22+$0x0], $0xffff  }
0x1c6: {  	[tilespmem:s6+$0x0] =	vst v8;
	s6 =	sadd.s32 $0x10880, s17;
	s7 =	simm.s32 $0x4000;
	v41 =	vld.idx.msk [tilespmem:v6+s22+$0x0], $0xffff  }
0x1c7: {  	[tilespmem:s1+$0x0] =	vst v10;
	s11 =	sor.u32 s15, s6;
	v43 =	vld.idx.msk [tilespmem:v2+s7+$0x0], $0xffff  }
0x1c8: {  	v44 =	vld.idx.msk [tilespmem:v1+s7+$0x0], $0xffff;
	s18 =	sor.u32 s16, s6;
	s20 =	simm.s32 $0x3C00;
	[tilespmem:s11+$0x0] =	vst v7  }
0x1c9: {  	s21 =	sor.u32 s24, s6;
	v7 =	vld.idx.msk [tilespmem:v4+s20+$0x0], $0xffff;
	[tilespmem:s18+$0x0] =	vst v40  }
0x1ca: {  	s19 =	sor.u32 s9, s6;
	[tilespmem:s21+$0x0] =	vst v42;
	v9 =	vld.idx.msk [tilespmem:v5+s20+$0x0], $0xffff  }
0x1cb: {  	[tilespmem:s19+$0x0] =	vst v41;
	v46 =	vld.idx.msk [tilespmem:v3+s20+$0x0], $0xffff  }
0x1cc: {  	[tilespmem:s5+$0x0] =	vst v43;
	s22 =	sadd.s32 $0x10900, s17;
	v45 =	vld.idx.msk [tilespmem:v6+s20+$0x0], $0xffff  }
0x1cd: {  	v47 =	vld.idx.msk [tilespmem:v0+s7+$0x0], $0xffff;
	[tilespmem:s4+$0x0] =	vst v44;
	s5 =	simm.s32 $0x4200;
	s30 =	sor.u32 s15, s22  }
0x1ce: {  	s8 =	simm.s32 $0x3E00;
	v48 =	vld.idx.msk [tilespmem:v2+s5+$0x0], $0xffff;
	s4 =	sor.u32 s16, s22;
	[tilespmem:s30+$0x0] =	vst v7  }
0x1cf: {  	s1 =	sor.u32 s24, s22;
	v7 =	vld.idx.msk [tilespmem:v4+s8+$0x0], $0xffff;
	[tilespmem:s4+$0x0] =	vst v9  }
0x1d0: {  	s6 =	sor.u32 s9, s22;
	[tilespmem:s1+$0x0] =	vst v46;
	v49 =	vld.idx.msk [tilespmem:v5+s8+$0x0], $0xffff  }
0x1d1: {  	[tilespmem:s6+$0x0] =	vst v45;
	v11 =	vld.idx.msk [tilespmem:v3+s8+$0x0], $0xffff  }
0x1d2: {  	[tilespmem:s29+$0x0] =	vst v47;
	s11 =	sadd.s32 $0x10980, s17;
	v50 =	vld.idx.msk [tilespmem:v6+s8+$0x0], $0xffff  }
0x1d3: {  	v51 =	vld.idx.msk [tilespmem:v1+s5+$0x0], $0xffff;
	[tilespmem:s3+$0x0] =	vst v48;
	s18 =	sor.u32 s15, s11  }
0x1d4: {  	v52 =	vld.idx.msk [tilespmem:v0+s5+$0x0], $0xffff;
	s19 =	sor.u32 s16, s11;
	[tilespmem:s18+$0x0] =	vst v7  }
0x1d5: {  	s1 =	sor.u32 s24, s11;
	v7 =	vld.idx.msk [tilespmem:v4+s7+$0x0], $0xffff;
	[tilespmem:s19+$0x0] =	vst v49  }
0x1d6: {  	s20 =	sor.u32 s9, s11;
	[tilespmem:s1+$0x0] =	vst v11;
	v8 =	vld.idx.msk [tilespmem:v5+s7+$0x0], $0xffff  }
0x1d7: {  	[tilespmem:s20+$0x0] =	vst v50;
	v11 =	vld.idx.msk [tilespmem:v3+s7+$0x0], $0xffff  }
0x1d8: {  	s22 =	simm.s32 $0x4400;
	[tilespmem:s0+$0x0] =	vst v51;
	s21 =	sadd.s32 $0x10A00, s17;
	v9 =	vld.idx.msk [tilespmem:v6+s7+$0x0], $0xffff  }
0x1d9: {  	[tilespmem:s26+$0x0] =	vst v52;
	v53 =	vld.idx.msk [tilespmem:v2+s22+$0x0], $0xffff;
	s29 =	sor.u32 s15, s21  }
0x1da: {  	v54 =	vld.idx.msk [tilespmem:v1+s22+$0x0], $0xffff;
	s30 =	sor.u32 s16, s21;
	[tilespmem:s29+$0x0] =	vst v7  }
0x1db: {  	s0 =	sor.u32 s24, s21;
	v7 =	vld.idx.msk [tilespmem:v4+s5+$0x0], $0xffff;
	[tilespmem:s30+$0x0] =	vst v8  }
0x1dc: {  	s3 =	sor.u32 s9, s21;
	[tilespmem:s0+$0x0] =	vst v11;
	v8 =	vld.idx.msk [tilespmem:v5+s5+$0x0], $0xffff  }
0x1dd: {  	[tilespmem:s3+$0x0] =	vst v9;
	v11 =	vld.idx.msk [tilespmem:v3+s5+$0x0], $0xffff  }
0x1de: {  	[tilespmem:s31+$0x0] =	vst v53;
	s4 =	sadd.s32 $0x10A80, s17;
	s8 =	simm.s32 $0x4600;
	v9 =	vld.idx.msk [tilespmem:v6+s5+$0x0], $0xffff  }
0x1df: {  	[tilespmem:s12+$0x0] =	vst v54;
	s6 =	sor.u32 s15, s4;
	v56 =	vld.idx.msk [tilespmem:v2+s8+$0x0], $0xffff  }
0x1e0: {  	v55 =	vld.idx.msk [tilespmem:v0+s22+$0x0], $0xffff;
	s11 =	sor.u32 s16, s4;
	[tilespmem:s6+$0x0] =	vst v7  }
0x1e1: {  	s0 =	sor.u32 s24, s4;
	v7 =	vld.idx.msk [tilespmem:v4+s22+$0x0], $0xffff;
	[tilespmem:s11+$0x0] =	vst v8  }
0x1e2: {  	s12 =	sor.u32 s9, s4;
	[tilespmem:s0+$0x0] =	vst v11;
	v8 =	vld.idx.msk [tilespmem:v5+s22+$0x0], $0xffff  }
0x1e3: {  	[tilespmem:s12+$0x0] =	vst v9;
	v57 =	vld.idx.msk [tilespmem:v3+s22+$0x0], $0xffff  }
0x1e4: {  	s18 =	sadd.s32 $0x10B00, s17;
	v9 =	vld.idx.msk [tilespmem:v6+s22+$0x0], $0xffff;
	s0 =	rddreg [dreg:$0x7];
	[tilespmem:s28+$0x0] =	vst v56  }
0x1e5: {  	v58 =	vld.idx.msk [tilespmem:v1+s8+$0x0], $0xffff;
	s19 =	sor.u32 s15, s18;
	[tilespmem:s0+$0x0] =	vst v55  }
0x1e6: {  	s20 =	sor.u32 s16, s18;
	v59 =	vld.idx.msk [tilespmem:v0+s8+$0x0], $0xffff;
	[tilespmem:s19+$0x0] =	vst v7  }
0x1e7: {  	s0 =	sor.u32 s24, s18;
	v60 =	vld.idx.msk [tilespmem:v4+s8+$0x0], $0xffff;
	[tilespmem:s20+$0x0] =	vst v8  }
0x1e8: {  	s21 =	sor.u32 s9, s18;
	[tilespmem:s0+$0x0] =	vst v57;
	v61 =	vld.idx.msk [tilespmem:v5+s8+$0x0], $0xffff  }
0x1e9: {  	[tilespmem:s21+$0x0] =	vst v9;
	v63 =	vld.idx.msk [tilespmem:v3+s8+$0x0], $0xffff  }
0x1ea: {  	[tilespmem:s25+$0x0] =	vst v58;
	s22 =	sadd.s32 $0x10B80, s17;
	v62 =	vld.idx.msk [tilespmem:v6+s8+$0x0], $0xffff  }
0x1eb: {  	[tilespmem:s23+$0x0] =	vst v59;
	s23 =	sor.u32 s15, s22  }
0x1ec: {  	s25 =	sor.u32 s16, s22;
	[tilespmem:s23+$0x0] =	vst v60  }
0x1ed: {  	s0 =	sor.u32 s24, s22;
	[tilespmem:s25+$0x0] =	vst v61  }
0x1ee: {  	s26 =	sor.u32 s9, s22;
	[tilespmem:s0+$0x0] =	vst v63  }
0x1ef: {  	s1 =	simm.s32 $0x1;
	[tilespmem:s26+$0x0] =	vst v62  }
0x1f0: {  	s29 =	simm.s32 $0x4800;
	s28 =	simm.s32 $0x20000;
	s0 =	rddreg [dreg:$0xe]  }
0x1f1: {  	[hbm4b:s0+s7] =	stream.strided.scatter [tilespmem:s29], [sflag:$0x1], $0x10000, s28, s7, $0x38;
	[tilespmem:$0x14800] =	vst v63  }
0x1f2: {  	_ =	swait.ge [sflag:s1], $0x10000  }
0x1f3: {  	s30 =	rddreg [dreg:$0x10]  }
0x1f4: {  	s31 =	rddreg [dreg:$0xf];
	s2 =	sadd.s32 $0x1, s30  }
0x1f5: {  	p0 =	sne.s32 s2, s31  }
.Ltmp1:
0x1f6: {  	_ = 	snop;
	(pc) =	sbr.rel @p0 .LBB2_1-.Ltmp1, $4  }
0x1f7: {  	s6 =	simm.s32 $0x2000;
	s9 =	simm.s32 $0x1C00  }
0x1f8: {  	s24 =	simm.s32 $0x1800;
	s8 =	simm.s32 $0x1000;
	s15 =	simm.s32 $0x1200  }
0x1f9: {  	s22 =	simm.s32 $0x1400;
	s23 =	simm.s32 $0x1600;
	[sflag:s1] =	ssyncset.done $0x0  }
0x1fa: {  	s25 =	simm.s32 $0x1A00;
	s7 =	simm.s32 $0x1E00;
	[sflag:s1] =	ssyncadd.s32 $0xFFFF0000  }
0x1fb: {  	_ =	sfence.sel $0x180000  }
0x1fc: {  	[bflag:$0x0] =	sbarrier.arrive $0xFFFF  }
0x1fd: {  	_ =	strace $0x90000047  }
0x1fe: {  	s0 =	stileid.u32;
	[bflag:$0x2] =	sbarrier.arrive $0xFFFF  }
0x1ff: {  	p0 =	sne.s32 s0, $0x0;
	s0 =	rddreg [dreg:$0x2]  }
0x200: {  	s0 =	sadd.s32 @!p0 $0x100000, s0  }
0x201: {  	[sflag:s0] =	ssyncadd.tile.s32 @!p0 $0x1;
	_ =	shalt  }
.Lfunc_end2:
_tile_overlayer_lowered:
.L_overlay_start_2:
0x202: {  	(tag) =	ssettag $0x2  }
0x203: {  	s0 =	rddreg [dreg:$0x0];
	s2 =	stileid.u32  }
0x204: {  	s1 =	rddreg [dreg:$0x1];
	p0 =	sne.s32 s2, $0x0  }
0x205: {  	s3 =	rddreg [dreg:$0x2];
	[bflag:$0x3] =	sbarrier.arrive $0xFFFF;
	s2 =	simm.s32 @!p0 $0x1C01  }
0x206: {  	[timem:s3], [sflag:s2] =	dma.local @!p0 [hbm:s0], s1  }
0x207: {  	s0 =	simm.s32 @!p0 $0x1  }
0x208: {  	_ =	swait.ge @!p0 [sflag:s0], s1  }
0x209: {  	s1 =	ssub.s32 @!p0 $0x0, s1;
	[sflag:s0] =	ssyncset.done @!p0 $0x0  }
0x20a: {  	[sflag:s0] =	ssyncadd.s32 @!p0 s1  }
0x20b: {  	[bflag:$0x3] =	sbarrier.arrive $0xFFFF  }
0x20c: {  	_ =	shalt  }

</sc_bundles>
